<compile_context>
chip_gen: v7x
topology: tpu7x:2x2x1
jax: 0.10.2.dev20260603
libtpu: 0.0.44.dev20260713+nightly
codegen_flags: <defaults>
</compile_context>

<pallas_src>
import functools

import jax
import jax.numpy as jnp
from jax import lax
from jax.experimental import pallas as pl
from jax.experimental.pallas import tpu as pltpu
from jax.experimental.pallas import tpu_sc as plsc

NC = 2
NS = 16
L = 16
NW = NC * NS

B = 16384
D = 32
BPW = B // NW

_LOG1P_COEF = (
    9.083786844943376e-08,
    0.9999914545717464,
    -0.49980116320372914,
    0.3313340057250358,
    -0.23919071732133323,
    0.16478349729867933,
    -0.09231376866991943,
    0.03441859352056854,
    -0.006074877643740236,
)


def _softplus16(x):
    t = jnp.exp(-jnp.abs(x))
    p = jnp.full((L,), _LOG1P_COEF[-1], jnp.float32)
    for c in _LOG1P_COEF[-2::-1]:
        p = p * t + c
    return jnp.maximum(x, 0.0) + p


def _sc_kernel(uids_hbm, iids_hbm, utab_hbm, itab_hbm, gu_hbm, gi_hbm,
               dot_hbm, var_hbm,
               uid_v, iid_v, urows_v, irows_v, gu_v, gi_v, dot_v, var_v,
               sem):
    wid = lax.axis_index("s") * NC + lax.axis_index("c")
    base = wid * BPW

    pltpu.sync_copy(uids_hbm.at[pl.ds(base, BPW)], uid_v)
    pltpu.sync_copy(iids_hbm.at[pl.ds(base, BPW)], iid_v)

    cp_u = pltpu.async_copy(utab_hbm.at[uid_v], urows_v, sem)
    cp_i = pltpu.async_copy(itab_hbm.at[iid_v], irows_v, sem)
    cp_gu = pltpu.async_copy(gu_hbm.at[uid_v], gu_v, sem)
    cp_gi = pltpu.async_copy(gi_hbm.at[iid_v], gi_v, sem)
    cp_u.wait()
    cp_i.wait()
    cp_gu.wait()
    cp_gi.wait()

    lanes = lax.iota(jnp.int32, L)

    def group(g, carry):
        row0 = g * L
        ridx = row0 + lanes
        acc = jnp.zeros((L,), jnp.float32)
        for d in range(D):
            cidx = jnp.full((L,), d, jnp.int32)
            u = plsc.load_gather(urows_v, [ridx, cidx])
            v = plsc.load_gather(irows_v, [ridx, cidx])
            acc = acc + u * v
        dot_v[pl.ds(row0, L)] = acc
        x = gu_v[pl.ds(row0, L)] + gi_v[pl.ds(row0, L)]
        var_v[pl.ds(row0, L)] = _softplus16(x)
        return carry

    lax.fori_loop(0, BPW // L, group, 0)

    pltpu.sync_copy(dot_v, dot_hbm.at[pl.ds(base, BPW)])
    pltpu.sync_copy(var_v, var_hbm.at[pl.ds(base, BPW)])


@functools.partial(
    pl.kernel,
    out_type=(
        jax.ShapeDtypeStruct((B,), jnp.float32),
        jax.ShapeDtypeStruct((B,), jnp.float32),
    ),
    mesh=plsc.VectorSubcoreMesh(core_axis_name="c", subcore_axis_name="s"),
    scratch_types=[
        pltpu.VMEM((BPW,), jnp.int32),
        pltpu.VMEM((BPW,), jnp.int32),
        pltpu.VMEM((BPW, D), jnp.float32),
        pltpu.VMEM((BPW, D), jnp.float32),
        pltpu.VMEM((BPW,), jnp.float32),
        pltpu.VMEM((BPW,), jnp.float32),
        pltpu.VMEM((BPW,), jnp.float32),
        pltpu.VMEM((BPW,), jnp.float32),
        pltpu.SemaphoreType.DMA,
    ],
    compiler_params=pltpu.CompilerParams(
        needs_layout_passes=False, use_tc_tiling_on_sc=False),
)
def _cpmf_sc(*refs):
    _sc_kernel(*refs)


def kernel(user_ids, item_ids, user_table, item_table, user_gamma_table,
           item_gamma_table):
    dot, var = _cpmf_sc(
        user_ids.astype(jnp.int32),
        item_ids.astype(jnp.int32),
        user_table,
        item_table,
        user_gamma_table.reshape(-1),
        item_gamma_table.reshape(-1),
    )
    return dot, var

# --- scband reference (transcript-rebuilt; emitter-appended) ---
"""Pipeline reference for scband-cpmfnet-27101243638140 (READ-ONLY COPY).

The authoritative reference and input builder live on the scoring server;
editing this copy changes nothing except your own understanding.
"""

import jax, jax.numpy as jnp
import numpy as np

NUM_USERS = 1000000
NUM_ITEMS = 1000000
EMBED_DIM = 32
BATCH = 16384


def setup_inputs(seed: int = 0) -> dict:
    key = jax.random.key(seed)
    k1, k2, k3, k4, k5, k6 = jax.random.split(key, 6)
    user_ids = jax.random.randint(k1, (BATCH,), 0, NUM_USERS, dtype=jnp.int64 if jax.config.jax_enable_x64 else jnp.int32)
    item_ids = jax.random.randint(k2, (BATCH,), 0, NUM_ITEMS, dtype=jnp.int64 if jax.config.jax_enable_x64 else jnp.int32)
    # ScaledEmbedding init: normal scaled by 1/embedding_dim
    user_table = jax.random.normal(k3, (NUM_USERS, EMBED_DIM), dtype=jnp.float32) / EMBED_DIM
    item_table = jax.random.normal(k4, (NUM_ITEMS, EMBED_DIM), dtype=jnp.float32) / EMBED_DIM
    user_gamma_table = jax.random.normal(k5, (NUM_USERS, 1), dtype=jnp.float32) / 1.0
    item_gamma_table = jax.random.normal(k6, (NUM_ITEMS, 1), dtype=jnp.float32) / 1.0
    return {
        "user_ids": user_ids,
        "item_ids": item_ids,
        "user_table": user_table,
        "item_table": item_table,
        "user_gamma_table": user_gamma_table,
        "item_gamma_table": item_gamma_table,
    }


def reference(user_ids, item_ids, user_table, item_table, user_gamma_table, item_gamma_table):
    # user/item embedding lookups (gather)
    user_embedding = jnp.take(user_table, user_ids, axis=0)  # [B, D]
    item_embedding = jnp.take(item_table, item_ids, axis=0)  # [B, D]
    dot = (user_embedding * item_embedding).sum(axis=1)  # [B]
    user_gamma = jnp.take(user_gamma_table, user_ids, axis=0)[:, 0]  # squeeze -> [B]
    item_gamma = jnp.take(item_gamma_table, item_ids, axis=0)[:, 0]  # squeeze -> [B]
    var = jax.nn.softplus(user_gamma + item_gamma)  # [B]
    return (dot, var)

if __name__ == "__main__":
    import jax
    _d = setup_inputs()
    print(jax.jit(kernel)(*tuple(_d.values())))

</pallas_src>

<mosaic_0001>
#map = affine_map<(d0, d1) -> (0)>
#map1 = affine_map<(d0, d1) -> (0, 0)>
module attributes {stable_mosaic.version = 14 : i64} {
  func.func @_cpmf_sc(%arg0: i32, %arg1: i32, %arg2: memref<16384xi32, #tpu.memory_space<hbm>>, %arg3: memref<16384xi32, #tpu.memory_space<hbm>>, %arg4: memref<1000000x32xf32, #tpu.memory_space<hbm>>, %arg5: memref<1000000x32xf32, #tpu.memory_space<hbm>>, %arg6: memref<1000000xf32, #tpu.memory_space<hbm>>, %arg7: memref<1000000xf32, #tpu.memory_space<hbm>>, %arg8: memref<16384xf32, #tpu.memory_space<hbm>>, %arg9: memref<16384xf32, #tpu.memory_space<hbm>>, %arg10: memref<512xi32, #tpu.memory_space<vmem>>, %arg11: memref<512xi32, #tpu.memory_space<vmem>>, %arg12: memref<512x32xf32, #tpu.memory_space<vmem>>, %arg13: memref<512x32xf32, #tpu.memory_space<vmem>>, %arg14: memref<512xf32, #tpu.memory_space<vmem>>, %arg15: memref<512xf32, #tpu.memory_space<vmem>>, %arg16: memref<512xf32, #tpu.memory_space<vmem>>, %arg17: memref<512xf32, #tpu.memory_space<vmem>>, %arg18: memref<!tpu.dma_semaphore, #tpu.memory_space<semaphore_mem>>) attributes {dimension_semantics = [#tpu.dimension_semantics<core_parallel>, #tpu.dimension_semantics<subcore_parallel>], iteration_bounds = array<i64: 2, 16>, scalar_prefetch = 0 : i64, scratch_operands = 9 : i64, tpu.core_type = #tpu.core_type<sc_vector_subcore>, window_params = [{transform_indices = #map}, {transform_indices = #map}, {transform_indices = #map1}, {transform_indices = #map1}, {transform_indices = #map}, {transform_indices = #map}, {transform_indices = #map}, {transform_indices = #map}]} {
    %mul3A = arith.constant 2 : i32
    %mul3A_0 = arith.muli %arg1, %mul3A : i32
    %add3A = arith.addi %mul3A_0, %arg0 : i32
    %mul3A_1 = arith.constant 512 : i32
    %mul3A_2 = arith.muli %add3A, %mul3A_1 : i32
    "tpu.region"() ({
      %run_scoped3A = tpu.sem_alloc : memref<!tpu.dma_semaphore, #tpu.memory_space<semaphore_mem>>
      %dma_start3A_26 = tpu.memref_slice %arg2[%mul3A_2] : memref<16384xi32, #tpu.memory_space<hbm>> -> memref<512xi32, #tpu.memory_space<hbm>>
      %dma_start3A_27 = tpu.memref_slice %arg2[%mul3A_2] : memref<16384xi32, #tpu.memory_space<hbm>> -> memref<512xi32, #tpu.memory_space<hbm>>
      tpu.enqueue_dma source(%dma_start3A_27 : memref<512xi32, #tpu.memory_space<hbm>>) target(%arg10 : memref<512xi32, #tpu.memory_space<vmem>>) target_semaphore(%run_scoped3A : memref<!tpu.dma_semaphore, #tpu.memory_space<semaphore_mem>>)
      %dma_wait3A_28 = tpu.memref_slice %arg2[%mul3A_2] : memref<16384xi32, #tpu.memory_space<hbm>> -> memref<512xi32, #tpu.memory_space<hbm>>
      %dma_wait3A_29 = tpu.memref_slice %arg2[%mul3A_2] : memref<16384xi32, #tpu.memory_space<hbm>> -> memref<512xi32, #tpu.memory_space<hbm>>
      tpu.wait_dma2 semaphore(%run_scoped3A : memref<!tpu.dma_semaphore, #tpu.memory_space<semaphore_mem>>) src(%dma_wait3A_29 : memref<512xi32, #tpu.memory_space<hbm>>) dst(%arg10 : memref<512xi32, #tpu.memory_space<vmem>>)
      tpu.yield
    }) : () -> ()
    "tpu.region"() ({
      %run_scoped3A = tpu.sem_alloc : memref<!tpu.dma_semaphore, #tpu.memory_space<semaphore_mem>>
      %dma_start3A_26 = tpu.memref_slice %arg3[%mul3A_2] : memref<16384xi32, #tpu.memory_space<hbm>> -> memref<512xi32, #tpu.memory_space<hbm>>
      %dma_start3A_27 = tpu.memref_slice %arg3[%mul3A_2] : memref<16384xi32, #tpu.memory_space<hbm>> -> memref<512xi32, #tpu.memory_space<hbm>>
      tpu.enqueue_dma source(%dma_start3A_27 : memref<512xi32, #tpu.memory_space<hbm>>) target(%arg11 : memref<512xi32, #tpu.memory_space<vmem>>) target_semaphore(%run_scoped3A : memref<!tpu.dma_semaphore, #tpu.memory_space<semaphore_mem>>)
      %dma_wait3A_28 = tpu.memref_slice %arg3[%mul3A_2] : memref<16384xi32, #tpu.memory_space<hbm>> -> memref<512xi32, #tpu.memory_space<hbm>>
      %dma_wait3A_29 = tpu.memref_slice %arg3[%mul3A_2] : memref<16384xi32, #tpu.memory_space<hbm>> -> memref<512xi32, #tpu.memory_space<hbm>>
      tpu.wait_dma2 semaphore(%run_scoped3A : memref<!tpu.dma_semaphore, #tpu.memory_space<semaphore_mem>>) src(%dma_wait3A_29 : memref<512xi32, #tpu.memory_space<hbm>>) dst(%arg11 : memref<512xi32, #tpu.memory_space<vmem>>)
      tpu.yield
    }) : () -> ()
    %dma_start3A = arith.constant 0 : i32
    %dma_start3A_3 = arith.constant 0 : i32
    %dma_start3A_4 = tpu.memref_slice %arg4[%dma_start3A, %dma_start3A_3] : memref<1000000x32xf32, #tpu.memory_space<hbm>> -> memref<1000000x32xf32, #tpu.memory_space<hbm>>
    tpu.enqueue_indirect_dma source(%dma_start3A_4 : memref<1000000x32xf32, #tpu.memory_space<hbm>>) target(%arg12 : memref<512x32xf32, #tpu.memory_space<vmem>>) offsets(%arg10 : memref<512xi32, #tpu.memory_space<vmem>>) semaphore(%arg18 : memref<!tpu.dma_semaphore, #tpu.memory_space<semaphore_mem>>)
    %dma_start3A_5 = arith.constant 0 : i32
    %dma_start3A_6 = arith.constant 0 : i32
    %dma_start3A_7 = tpu.memref_slice %arg5[%dma_start3A_5, %dma_start3A_6] : memref<1000000x32xf32, #tpu.memory_space<hbm>> -> memref<1000000x32xf32, #tpu.memory_space<hbm>>
    tpu.enqueue_indirect_dma source(%dma_start3A_7 : memref<1000000x32xf32, #tpu.memory_space<hbm>>) target(%arg13 : memref<512x32xf32, #tpu.memory_space<vmem>>) offsets(%arg11 : memref<512xi32, #tpu.memory_space<vmem>>) semaphore(%arg18 : memref<!tpu.dma_semaphore, #tpu.memory_space<semaphore_mem>>)
    %dma_start3A_8 = arith.constant 0 : i32
    %dma_start3A_9 = tpu.memref_slice %arg6[%dma_start3A_8] : memref<1000000xf32, #tpu.memory_space<hbm>> -> memref<1000000xf32, #tpu.memory_space<hbm>>
    tpu.enqueue_indirect_dma source(%dma_start3A_9 : memref<1000000xf32, #tpu.memory_space<hbm>>) target(%arg14 : memref<512xf32, #tpu.memory_space<vmem>>) offsets(%arg10 : memref<512xi32, #tpu.memory_space<vmem>>) semaphore(%arg18 : memref<!tpu.dma_semaphore, #tpu.memory_space<semaphore_mem>>)
    %dma_start3A_10 = arith.constant 0 : i32
    %dma_start3A_11 = tpu.memref_slice %arg7[%dma_start3A_10] : memref<1000000xf32, #tpu.memory_space<hbm>> -> memref<1000000xf32, #tpu.memory_space<hbm>>
    tpu.enqueue_indirect_dma source(%dma_start3A_11 : memref<1000000xf32, #tpu.memory_space<hbm>>) target(%arg15 : memref<512xf32, #tpu.memory_space<vmem>>) offsets(%arg11 : memref<512xi32, #tpu.memory_space<vmem>>) semaphore(%arg18 : memref<!tpu.dma_semaphore, #tpu.memory_space<semaphore_mem>>)
    %dma_wait3A = arith.constant 0 : i32
    %dma_wait3A_12 = arith.constant 0 : i32
    %dma_wait3A_13 = tpu.memref_slice %arg4[%dma_wait3A, %dma_wait3A_12] : memref<1000000x32xf32, #tpu.memory_space<hbm>> -> memref<1000000x32xf32, #tpu.memory_space<hbm>>
    tpu.wait_indirect_dma semaphore(%arg18 : memref<!tpu.dma_semaphore, #tpu.memory_space<semaphore_mem>>) src(%dma_wait3A_13 : memref<1000000x32xf32, #tpu.memory_space<hbm>>) dst(%arg12 : memref<512x32xf32, #tpu.memory_space<vmem>>)
    %dma_wait3A_14 = arith.constant 0 : i32
    %dma_wait3A_15 = arith.constant 0 : i32
    %dma_wait3A_16 = tpu.memref_slice %arg5[%dma_wait3A_14, %dma_wait3A_15] : memref<1000000x32xf32, #tpu.memory_space<hbm>> -> memref<1000000x32xf32, #tpu.memory_space<hbm>>
    tpu.wait_indirect_dma semaphore(%arg18 : memref<!tpu.dma_semaphore, #tpu.memory_space<semaphore_mem>>) src(%dma_wait3A_16 : memref<1000000x32xf32, #tpu.memory_space<hbm>>) dst(%arg13 : memref<512x32xf32, #tpu.memory_space<vmem>>)
    %dma_wait3A_17 = arith.constant 0 : i32
    %dma_wait3A_18 = tpu.memref_slice %arg6[%dma_wait3A_17] : memref<1000000xf32, #tpu.memory_space<hbm>> -> memref<1000000xf32, #tpu.memory_space<hbm>>
    tpu.wait_indirect_dma semaphore(%arg18 : memref<!tpu.dma_semaphore, #tpu.memory_space<semaphore_mem>>) src(%dma_wait3A_18 : memref<1000000xf32, #tpu.memory_space<hbm>>) dst(%arg14 : memref<512xf32, #tpu.memory_space<vmem>>)
    %dma_wait3A_19 = arith.constant 0 : i32
    %dma_wait3A_20 = tpu.memref_slice %arg7[%dma_wait3A_19] : memref<1000000xf32, #tpu.memory_space<hbm>> -> memref<1000000xf32, #tpu.memory_space<hbm>>
    tpu.wait_indirect_dma semaphore(%arg18 : memref<!tpu.dma_semaphore, #tpu.memory_space<semaphore_mem>>) src(%dma_wait3A_20 : memref<1000000xf32, #tpu.memory_space<hbm>>) dst(%arg15 : memref<512xf32, #tpu.memory_space<vmem>>)
    %iota3A = tpu.iota {dimensions = array<i32: 0>} : vector<16xi32>
    %scan3A = arith.constant 0 : i32
    %scan3A_21 = arith.constant 0 : i32
    %scan3A_22 = arith.constant 32 : i32
    %scan3A_23 = arith.addi %scan3A_21, %scan3A_22 : i32
    %scan3A_24 = arith.constant 1 : i32
    scf.for %scan3A_26 = %scan3A_21 to %scan3A_23 step %scan3A_24  : i32 {
      %mul3A_27 = arith.constant 16 : i32
      %mul3A_28 = arith.muli %scan3A_26, %mul3A_27 : i32
      %add3A_29 = vector.broadcast %mul3A_28 : i32 to vector<16xi32>
      %add3A_30 = arith.addi %add3A_29, %iota3A : vector<16xi32>
      %broadcast_in_dim3A = arith.constant 0.000000e+00 : f32
      %broadcast_in_dim3A_31 = vector.broadcast %broadcast_in_dim3A : f32 to vector<16xf32>
      %broadcast_in_dim3A_32 = arith.constant 0 : i32
      %broadcast_in_dim3A_33 = vector.broadcast %broadcast_in_dim3A_32 : i32 to vector<16xi32>
      %gather3A = tpu.vector_load_idx %arg12[%add3A_30, %broadcast_in_dim3A_33] : memref<512x32xf32, #tpu.memory_space<vmem>>[vector<16xi32>, vector<16xi32>], vector<16xf32>,
      %gather3A_34 = tpu.vector_load_idx %arg13[%add3A_30, %broadcast_in_dim3A_33] : memref<512x32xf32, #tpu.memory_space<vmem>>[vector<16xi32>, vector<16xi32>], vector<16xf32>,
      %mul3A_35 = arith.mulf %gather3A, %gather3A_34 : vector<16xf32>
      %add3A_36 = arith.addf %broadcast_in_dim3A_31, %mul3A_35 : vector<16xf32>
      %broadcast_in_dim3A_37 = arith.constant 1 : i32
      %broadcast_in_dim3A_38 = vector.broadcast %broadcast_in_dim3A_37 : i32 to vector<16xi32>
      %gather3A_39 = tpu.vector_load_idx %arg12[%add3A_30, %broadcast_in_dim3A_38] : memref<512x32xf32, #tpu.memory_space<vmem>>[vector<16xi32>, vector<16xi32>], vector<16xf32>,
      %gather3A_40 = tpu.vector_load_idx %arg13[%add3A_30, %broadcast_in_dim3A_38] : memref<512x32xf32, #tpu.memory_space<vmem>>[vector<16xi32>, vector<16xi32>], vector<16xf32>,
      %mul3A_41 = arith.mulf %gather3A_39, %gather3A_40 : vector<16xf32>
      %add3A_42 = arith.addf %add3A_36, %mul3A_41 : vector<16xf32>
      %broadcast_in_dim3A_43 = arith.constant 2 : i32
      %broadcast_in_dim3A_44 = vector.broadcast %broadcast_in_dim3A_43 : i32 to vector<16xi32>
      %gather3A_45 = tpu.vector_load_idx %arg12[%add3A_30, %broadcast_in_dim3A_44] : memref<512x32xf32, #tpu.memory_space<vmem>>[vector<16xi32>, vector<16xi32>], vector<16xf32>,
      %gather3A_46 = tpu.vector_load_idx %arg13[%add3A_30, %broadcast_in_dim3A_44] : memref<512x32xf32, #tpu.memory_space<vmem>>[vector<16xi32>, vector<16xi32>], vector<16xf32>,
      %mul3A_47 = arith.mulf %gather3A_45, %gather3A_46 : vector<16xf32>
      %add3A_48 = arith.addf %add3A_42, %mul3A_47 : vector<16xf32>
      %broadcast_in_dim3A_49 = arith.constant 3 : i32
      %broadcast_in_dim3A_50 = vector.broadcast %broadcast_in_dim3A_49 : i32 to vector<16xi32>
      %gather3A_51 = tpu.vector_load_idx %arg12[%add3A_30, %broadcast_in_dim3A_50] : memref<512x32xf32, #tpu.memory_space<vmem>>[vector<16xi32>, vector<16xi32>], vector<16xf32>,
      %gather3A_52 = tpu.vector_load_idx %arg13[%add3A_30, %broadcast_in_dim3A_50] : memref<512x32xf32, #tpu.memory_space<vmem>>[vector<16xi32>, vector<16xi32>], vector<16xf32>,
      %mul3A_53 = arith.mulf %gather3A_51, %gather3A_52 : vector<16xf32>
      %add3A_54 = arith.addf %add3A_48, %mul3A_53 : vector<16xf32>
      %broadcast_in_dim3A_55 = arith.constant 4 : i32
      %broadcast_in_dim3A_56 = vector.broadcast %broadcast_in_dim3A_55 : i32 to vector<16xi32>
      %gather3A_57 = tpu.vector_load_idx %arg12[%add3A_30, %broadcast_in_dim3A_56] : memref<512x32xf32, #tpu.memory_space<vmem>>[vector<16xi32>, vector<16xi32>], vector<16xf32>,
      %gather3A_58 = tpu.vector_load_idx %arg13[%add3A_30, %broadcast_in_dim3A_56] : memref<512x32xf32, #tpu.memory_space<vmem>>[vector<16xi32>, vector<16xi32>], vector<16xf32>,
      %mul3A_59 = arith.mulf %gather3A_57, %gather3A_58 : vector<16xf32>
      %add3A_60 = arith.addf %add3A_54, %mul3A_59 : vector<16xf32>
      %broadcast_in_dim3A_61 = arith.constant 5 : i32
      %broadcast_in_dim3A_62 = vector.broadcast %broadcast_in_dim3A_61 : i32 to vector<16xi32>
      %gather3A_63 = tpu.vector_load_idx %arg12[%add3A_30, %broadcast_in_dim3A_62] : memref<512x32xf32, #tpu.memory_space<vmem>>[vector<16xi32>, vector<16xi32>], vector<16xf32>,
      %gather3A_64 = tpu.vector_load_idx %arg13[%add3A_30, %broadcast_in_dim3A_62] : memref<512x32xf32, #tpu.memory_space<vmem>>[vector<16xi32>, vector<16xi32>], vector<16xf32>,
      %mul3A_65 = arith.mulf %gather3A_63, %gather3A_64 : vector<16xf32>
      %add3A_66 = arith.addf %add3A_60, %mul3A_65 : vector<16xf32>
      %broadcast_in_dim3A_67 = arith.constant 6 : i32
      %broadcast_in_dim3A_68 = vector.broadcast %broadcast_in_dim3A_67 : i32 to vector<16xi32>
      %gather3A_69 = tpu.vector_load_idx %arg12[%add3A_30, %broadcast_in_dim3A_68] : memref<512x32xf32, #tpu.memory_space<vmem>>[vector<16xi32>, vector<16xi32>], vector<16xf32>,
      %gather3A_70 = tpu.vector_load_idx %arg13[%add3A_30, %broadcast_in_dim3A_68] : memref<512x32xf32, #tpu.memory_space<vmem>>[vector<16xi32>, vector<16xi32>], vector<16xf32>,
      %mul3A_71 = arith.mulf %gather3A_69, %gather3A_70 : vector<16xf32>
      %add3A_72 = arith.addf %add3A_66, %mul3A_71 : vector<16xf32>
      %broadcast_in_dim3A_73 = arith.constant 7 : i32
      %broadcast_in_dim3A_74 = vector.broadcast %broadcast_in_dim3A_73 : i32 to vector<16xi32>
      %gather3A_75 = tpu.vector_load_idx %arg12[%add3A_30, %broadcast_in_dim3A_74] : memref<512x32xf32, #tpu.memory_space<vmem>>[vector<16xi32>, vector<16xi32>], vector<16xf32>,
      %gather3A_76 = tpu.vector_load_idx %arg13[%add3A_30, %broadcast_in_dim3A_74] : memref<512x32xf32, #tpu.memory_space<vmem>>[vector<16xi32>, vector<16xi32>], vector<16xf32>,
      %mul3A_77 = arith.mulf %gather3A_75, %gather3A_76 : vector<16xf32>
      %add3A_78 = arith.addf %add3A_72, %mul3A_77 : vector<16xf32>
      %broadcast_in_dim3A_79 = arith.constant 8 : i32
      %broadcast_in_dim3A_80 = vector.broadcast %broadcast_in_dim3A_79 : i32 to vector<16xi32>
      %gather3A_81 = tpu.vector_load_idx %arg12[%add3A_30, %broadcast_in_dim3A_80] : memref<512x32xf32, #tpu.memory_space<vmem>>[vector<16xi32>, vector<16xi32>], vector<16xf32>,
      %gather3A_82 = tpu.vector_load_idx %arg13[%add3A_30, %broadcast_in_dim3A_80] : memref<512x32xf32, #tpu.memory_space<vmem>>[vector<16xi32>, vector<16xi32>], vector<16xf32>,
      %mul3A_83 = arith.mulf %gather3A_81, %gather3A_82 : vector<16xf32>
      %add3A_84 = arith.addf %add3A_78, %mul3A_83 : vector<16xf32>
      %broadcast_in_dim3A_85 = arith.constant 9 : i32
      %broadcast_in_dim3A_86 = vector.broadcast %broadcast_in_dim3A_85 : i32 to vector<16xi32>
      %gather3A_87 = tpu.vector_load_idx %arg12[%add3A_30, %broadcast_in_dim3A_86] : memref<512x32xf32, #tpu.memory_space<vmem>>[vector<16xi32>, vector<16xi32>], vector<16xf32>,
      %gather3A_88 = tpu.vector_load_idx %arg13[%add3A_30, %broadcast_in_dim3A_86] : memref<512x32xf32, #tpu.memory_space<vmem>>[vector<16xi32>, vector<16xi32>], vector<16xf32>,
      %mul3A_89 = arith.mulf %gather3A_87, %gather3A_88 : vector<16xf32>
      %add3A_90 = arith.addf %add3A_84, %mul3A_89 : vector<16xf32>
      %broadcast_in_dim3A_91 = arith.constant 10 : i32
      %broadcast_in_dim3A_92 = vector.broadcast %broadcast_in_dim3A_91 : i32 to vector<16xi32>
      %gather3A_93 = tpu.vector_load_idx %arg12[%add3A_30, %broadcast_in_dim3A_92] : memref<512x32xf32, #tpu.memory_space<vmem>>[vector<16xi32>, vector<16xi32>], vector<16xf32>,
      %gather3A_94 = tpu.vector_load_idx %arg13[%add3A_30, %broadcast_in_dim3A_92] : memref<512x32xf32, #tpu.memory_space<vmem>>[vector<16xi32>, vector<16xi32>], vector<16xf32>,
      %mul3A_95 = arith.mulf %gather3A_93, %gather3A_94 : vector<16xf32>
      %add3A_96 = arith.addf %add3A_90, %mul3A_95 : vector<16xf32>
      %broadcast_in_dim3A_97 = arith.constant 11 : i32
      %broadcast_in_dim3A_98 = vector.broadcast %broadcast_in_dim3A_97 : i32 to vector<16xi32>
      %gather3A_99 = tpu.vector_load_idx %arg12[%add3A_30, %broadcast_in_dim3A_98] : memref<512x32xf32, #tpu.memory_space<vmem>>[vector<16xi32>, vector<16xi32>], vector<16xf32>,
      %gather3A_100 = tpu.vector_load_idx %arg13[%add3A_30, %broadcast_in_dim3A_98] : memref<512x32xf32, #tpu.memory_space<vmem>>[vector<16xi32>, vector<16xi32>], vector<16xf32>,
      %mul3A_101 = arith.mulf %gather3A_99, %gather3A_100 : vector<16xf32>
      %add3A_102 = arith.addf %add3A_96, %mul3A_101 : vector<16xf32>
      %broadcast_in_dim3A_103 = arith.constant 12 : i32
      %broadcast_in_dim3A_104 = vector.broadcast %broadcast_in_dim3A_103 : i32 to vector<16xi32>
      %gather3A_105 = tpu.vector_load_idx %arg12[%add3A_30, %broadcast_in_dim3A_104] : memref<512x32xf32, #tpu.memory_space<vmem>>[vector<16xi32>, vector<16xi32>], vector<16xf32>,
      %gather3A_106 = tpu.vector_load_idx %arg13[%add3A_30, %broadcast_in_dim3A_104] : memref<512x32xf32, #tpu.memory_space<vmem>>[vector<16xi32>, vector<16xi32>], vector<16xf32>,
      %mul3A_107 = arith.mulf %gather3A_105, %gather3A_106 : vector<16xf32>
      %add3A_108 = arith.addf %add3A_102, %mul3A_107 : vector<16xf32>
      %broadcast_in_dim3A_109 = arith.constant 13 : i32
      %broadcast_in_dim3A_110 = vector.broadcast %broadcast_in_dim3A_109 : i32 to vector<16xi32>
      %gather3A_111 = tpu.vector_load_idx %arg12[%add3A_30, %broadcast_in_dim3A_110] : memref<512x32xf32, #tpu.memory_space<vmem>>[vector<16xi32>, vector<16xi32>], vector<16xf32>,
      %gather3A_112 = tpu.vector_load_idx %arg13[%add3A_30, %broadcast_in_dim3A_110] : memref<512x32xf32, #tpu.memory_space<vmem>>[vector<16xi32>, vector<16xi32>], vector<16xf32>,
      %mul3A_113 = arith.mulf %gather3A_111, %gather3A_112 : vector<16xf32>
      %add3A_114 = arith.addf %add3A_108, %mul3A_113 : vector<16xf32>
      %broadcast_in_dim3A_115 = arith.constant 14 : i32
      %broadcast_in_dim3A_116 = vector.broadcast %broadcast_in_dim3A_115 : i32 to vector<16xi32>
      %gather3A_117 = tpu.vector_load_idx %arg12[%add3A_30, %broadcast_in_dim3A_116] : memref<512x32xf32, #tpu.memory_space<vmem>>[vector<16xi32>, vector<16xi32>], vector<16xf32>,
      %gather3A_118 = tpu.vector_load_idx %arg13[%add3A_30, %broadcast_in_dim3A_116] : memref<512x32xf32, #tpu.memory_space<vmem>>[vector<16xi32>, vector<16xi32>], vector<16xf32>,
      %mul3A_119 = arith.mulf %gather3A_117, %gather3A_118 : vector<16xf32>
      %add3A_120 = arith.addf %add3A_114, %mul3A_119 : vector<16xf32>
      %broadcast_in_dim3A_121 = arith.constant 15 : i32
      %broadcast_in_dim3A_122 = vector.broadcast %broadcast_in_dim3A_121 : i32 to vector<16xi32>
      %gather3A_123 = tpu.vector_load_idx %arg12[%add3A_30, %broadcast_in_dim3A_122] : memref<512x32xf32, #tpu.memory_space<vmem>>[vector<16xi32>, vector<16xi32>], vector<16xf32>,
      %gather3A_124 = tpu.vector_load_idx %arg13[%add3A_30, %broadcast_in_dim3A_122] : memref<512x32xf32, #tpu.memory_space<vmem>>[vector<16xi32>, vector<16xi32>], vector<16xf32>,
      %mul3A_125 = arith.mulf %gather3A_123, %gather3A_124 : vector<16xf32>
      %add3A_126 = arith.addf %add3A_120, %mul3A_125 : vector<16xf32>
      %broadcast_in_dim3A_127 = arith.constant 16 : i32
      %broadcast_in_dim3A_128 = vector.broadcast %broadcast_in_dim3A_127 : i32 to vector<16xi32>
      %gather3A_129 = tpu.vector_load_idx %arg12[%add3A_30, %broadcast_in_dim3A_128] : memref<512x32xf32, #tpu.memory_space<vmem>>[vector<16xi32>, vector<16xi32>], vector<16xf32>,
      %gather3A_130 = tpu.vector_load_idx %arg13[%add3A_30, %broadcast_in_dim3A_128] : memref<512x32xf32, #tpu.memory_space<vmem>>[vector<16xi32>, vector<16xi32>], vector<16xf32>,
      %mul3A_131 = arith.mulf %gather3A_129, %gather3A_130 : vector<16xf32>
      %add3A_132 = arith.addf %add3A_126, %mul3A_131 : vector<16xf32>
      %broadcast_in_dim3A_133 = arith.constant 17 : i32
      %broadcast_in_dim3A_134 = vector.broadcast %broadcast_in_dim3A_133 : i32 to vector<16xi32>
      %gather3A_135 = tpu.vector_load_idx %arg12[%add3A_30, %broadcast_in_dim3A_134] : memref<512x32xf32, #tpu.memory_space<vmem>>[vector<16xi32>, vector<16xi32>], vector<16xf32>,
      %gather3A_136 = tpu.vector_load_idx %arg13[%add3A_30, %broadcast_in_dim3A_134] : memref<512x32xf32, #tpu.memory_space<vmem>>[vector<16xi32>, vector<16xi32>], vector<16xf32>,
      %mul3A_137 = arith.mulf %gather3A_135, %gather3A_136 : vector<16xf32>
      %add3A_138 = arith.addf %add3A_132, %mul3A_137 : vector<16xf32>
      %broadcast_in_dim3A_139 = arith.constant 18 : i32
      %broadcast_in_dim3A_140 = vector.broadcast %broadcast_in_dim3A_139 : i32 to vector<16xi32>
      %gather3A_141 = tpu.vector_load_idx %arg12[%add3A_30, %broadcast_in_dim3A_140] : memref<512x32xf32, #tpu.memory_space<vmem>>[vector<16xi32>, vector<16xi32>], vector<16xf32>,
      %gather3A_142 = tpu.vector_load_idx %arg13[%add3A_30, %broadcast_in_dim3A_140] : memref<512x32xf32, #tpu.memory_space<vmem>>[vector<16xi32>, vector<16xi32>], vector<16xf32>,
      %mul3A_143 = arith.mulf %gather3A_141, %gather3A_142 : vector<16xf32>
      %add3A_144 = arith.addf %add3A_138, %mul3A_143 : vector<16xf32>
      %broadcast_in_dim3A_145 = arith.constant 19 : i32
      %broadcast_in_dim3A_146 = vector.broadcast %broadcast_in_dim3A_145 : i32 to vector<16xi32>
      %gather3A_147 = tpu.vector_load_idx %arg12[%add3A_30, %broadcast_in_dim3A_146] : memref<512x32xf32, #tpu.memory_space<vmem>>[vector<16xi32>, vector<16xi32>], vector<16xf32>,
      %gather3A_148 = tpu.vector_load_idx %arg13[%add3A_30, %broadcast_in_dim3A_146] : memref<512x32xf32, #tpu.memory_space<vmem>>[vector<16xi32>, vector<16xi32>], vector<16xf32>,
      %mul3A_149 = arith.mulf %gather3A_147, %gather3A_148 : vector<16xf32>
      %add3A_150 = arith.addf %add3A_144, %mul3A_149 : vector<16xf32>
      %broadcast_in_dim3A_151 = arith.constant 20 : i32
      %broadcast_in_dim3A_152 = vector.broadcast %broadcast_in_dim3A_151 : i32 to vector<16xi32>
      %gather3A_153 = tpu.vector_load_idx %arg12[%add3A_30, %broadcast_in_dim3A_152] : memref<512x32xf32, #tpu.memory_space<vmem>>[vector<16xi32>, vector<16xi32>], vector<16xf32>,
      %gather3A_154 = tpu.vector_load_idx %arg13[%add3A_30, %broadcast_in_dim3A_152] : memref<512x32xf32, #tpu.memory_space<vmem>>[vector<16xi32>, vector<16xi32>], vector<16xf32>,
      %mul3A_155 = arith.mulf %gather3A_153, %gather3A_154 : vector<16xf32>
      %add3A_156 = arith.addf %add3A_150, %mul3A_155 : vector<16xf32>
      %broadcast_in_dim3A_157 = arith.constant 21 : i32
      %broadcast_in_dim3A_158 = vector.broadcast %broadcast_in_dim3A_157 : i32 to vector<16xi32>
      %gather3A_159 = tpu.vector_load_idx %arg12[%add3A_30, %broadcast_in_dim3A_158] : memref<512x32xf32, #tpu.memory_space<vmem>>[vector<16xi32>, vector<16xi32>], vector<16xf32>,
      %gather3A_160 = tpu.vector_load_idx %arg13[%add3A_30, %broadcast_in_dim3A_158] : memref<512x32xf32, #tpu.memory_space<vmem>>[vector<16xi32>, vector<16xi32>], vector<16xf32>,
      %mul3A_161 = arith.mulf %gather3A_159, %gather3A_160 : vector<16xf32>
      %add3A_162 = arith.addf %add3A_156, %mul3A_161 : vector<16xf32>
      %broadcast_in_dim3A_163 = arith.constant 22 : i32
      %broadcast_in_dim3A_164 = vector.broadcast %broadcast_in_dim3A_163 : i32 to vector<16xi32>
      %gather3A_165 = tpu.vector_load_idx %arg12[%add3A_30, %broadcast_in_dim3A_164] : memref<512x32xf32, #tpu.memory_space<vmem>>[vector<16xi32>, vector<16xi32>], vector<16xf32>,
      %gather3A_166 = tpu.vector_load_idx %arg13[%add3A_30, %broadcast_in_dim3A_164] : memref<512x32xf32, #tpu.memory_space<vmem>>[vector<16xi32>, vector<16xi32>], vector<16xf32>,
      %mul3A_167 = arith.mulf %gather3A_165, %gather3A_166 : vector<16xf32>
      %add3A_168 = arith.addf %add3A_162, %mul3A_167 : vector<16xf32>
      %broadcast_in_dim3A_169 = arith.constant 23 : i32
      %broadcast_in_dim3A_170 = vector.broadcast %broadcast_in_dim3A_169 : i32 to vector<16xi32>
      %gather3A_171 = tpu.vector_load_idx %arg12[%add3A_30, %broadcast_in_dim3A_170] : memref<512x32xf32, #tpu.memory_space<vmem>>[vector<16xi32>, vector<16xi32>], vector<16xf32>,
      %gather3A_172 = tpu.vector_load_idx %arg13[%add3A_30, %broadcast_in_dim3A_170] : memref<512x32xf32, #tpu.memory_space<vmem>>[vector<16xi32>, vector<16xi32>], vector<16xf32>,
      %mul3A_173 = arith.mulf %gather3A_171, %gather3A_172 : vector<16xf32>
      %add3A_174 = arith.addf %add3A_168, %mul3A_173 : vector<16xf32>
      %broadcast_in_dim3A_175 = arith.constant 24 : i32
      %broadcast_in_dim3A_176 = vector.broadcast %broadcast_in_dim3A_175 : i32 to vector<16xi32>
      %gather3A_177 = tpu.vector_load_idx %arg12[%add3A_30, %broadcast_in_dim3A_176] : memref<512x32xf32, #tpu.memory_space<vmem>>[vector<16xi32>, vector<16xi32>], vector<16xf32>,
      %gather3A_178 = tpu.vector_load_idx %arg13[%add3A_30, %broadcast_in_dim3A_176] : memref<512x32xf32, #tpu.memory_space<vmem>>[vector<16xi32>, vector<16xi32>], vector<16xf32>,
      %mul3A_179 = arith.mulf %gather3A_177, %gather3A_178 : vector<16xf32>
      %add3A_180 = arith.addf %add3A_174, %mul3A_179 : vector<16xf32>
      %broadcast_in_dim3A_181 = arith.constant 25 : i32
      %broadcast_in_dim3A_182 = vector.broadcast %broadcast_in_dim3A_181 : i32 to vector<16xi32>
      %gather3A_183 = tpu.vector_load_idx %arg12[%add3A_30, %broadcast_in_dim3A_182] : memref<512x32xf32, #tpu.memory_space<vmem>>[vector<16xi32>, vector<16xi32>], vector<16xf32>,
      %gather3A_184 = tpu.vector_load_idx %arg13[%add3A_30, %broadcast_in_dim3A_182] : memref<512x32xf32, #tpu.memory_space<vmem>>[vector<16xi32>, vector<16xi32>], vector<16xf32>,
      %mul3A_185 = arith.mulf %gather3A_183, %gather3A_184 : vector<16xf32>
      %add3A_186 = arith.addf %add3A_180, %mul3A_185 : vector<16xf32>
      %broadcast_in_dim3A_187 = arith.constant 26 : i32
      %broadcast_in_dim3A_188 = vector.broadcast %broadcast_in_dim3A_187 : i32 to vector<16xi32>
      %gather3A_189 = tpu.vector_load_idx %arg12[%add3A_30, %broadcast_in_dim3A_188] : memref<512x32xf32, #tpu.memory_space<vmem>>[vector<16xi32>, vector<16xi32>], vector<16xf32>,
      %gather3A_190 = tpu.vector_load_idx %arg13[%add3A_30, %broadcast_in_dim3A_188] : memref<512x32xf32, #tpu.memory_space<vmem>>[vector<16xi32>, vector<16xi32>], vector<16xf32>,
      %mul3A_191 = arith.mulf %gather3A_189, %gather3A_190 : vector<16xf32>
      %add3A_192 = arith.addf %add3A_186, %mul3A_191 : vector<16xf32>
      %broadcast_in_dim3A_193 = arith.constant 27 : i32
      %broadcast_in_dim3A_194 = vector.broadcast %broadcast_in_dim3A_193 : i32 to vector<16xi32>
      %gather3A_195 = tpu.vector_load_idx %arg12[%add3A_30, %broadcast_in_dim3A_194] : memref<512x32xf32, #tpu.memory_space<vmem>>[vector<16xi32>, vector<16xi32>], vector<16xf32>,
      %gather3A_196 = tpu.vector_load_idx %arg13[%add3A_30, %broadcast_in_dim3A_194] : memref<512x32xf32, #tpu.memory_space<vmem>>[vector<16xi32>, vector<16xi32>], vector<16xf32>,
      %mul3A_197 = arith.mulf %gather3A_195, %gather3A_196 : vector<16xf32>
      %add3A_198 = arith.addf %add3A_192, %mul3A_197 : vector<16xf32>
      %broadcast_in_dim3A_199 = arith.constant 28 : i32
      %broadcast_in_dim3A_200 = vector.broadcast %broadcast_in_dim3A_199 : i32 to vector<16xi32>
      %gather3A_201 = tpu.vector_load_idx %arg12[%add3A_30, %broadcast_in_dim3A_200] : memref<512x32xf32, #tpu.memory_space<vmem>>[vector<16xi32>, vector<16xi32>], vector<16xf32>,
      %gather3A_202 = tpu.vector_load_idx %arg13[%add3A_30, %broadcast_in_dim3A_200] : memref<512x32xf32, #tpu.memory_space<vmem>>[vector<16xi32>, vector<16xi32>], vector<16xf32>,
      %mul3A_203 = arith.mulf %gather3A_201, %gather3A_202 : vector<16xf32>
      %add3A_204 = arith.addf %add3A_198, %mul3A_203 : vector<16xf32>
      %broadcast_in_dim3A_205 = arith.constant 29 : i32
      %broadcast_in_dim3A_206 = vector.broadcast %broadcast_in_dim3A_205 : i32 to vector<16xi32>
      %gather3A_207 = tpu.vector_load_idx %arg12[%add3A_30, %broadcast_in_dim3A_206] : memref<512x32xf32, #tpu.memory_space<vmem>>[vector<16xi32>, vector<16xi32>], vector<16xf32>,
      %gather3A_208 = tpu.vector_load_idx %arg13[%add3A_30, %broadcast_in_dim3A_206] : memref<512x32xf32, #tpu.memory_space<vmem>>[vector<16xi32>, vector<16xi32>], vector<16xf32>,
      %mul3A_209 = arith.mulf %gather3A_207, %gather3A_208 : vector<16xf32>
      %add3A_210 = arith.addf %add3A_204, %mul3A_209 : vector<16xf32>
      %broadcast_in_dim3A_211 = arith.constant 30 : i32
      %broadcast_in_dim3A_212 = vector.broadcast %broadcast_in_dim3A_211 : i32 to vector<16xi32>
      %gather3A_213 = tpu.vector_load_idx %arg12[%add3A_30, %broadcast_in_dim3A_212] : memref<512x32xf32, #tpu.memory_space<vmem>>[vector<16xi32>, vector<16xi32>], vector<16xf32>,
      %gather3A_214 = tpu.vector_load_idx %arg13[%add3A_30, %broadcast_in_dim3A_212] : memref<512x32xf32, #tpu.memory_space<vmem>>[vector<16xi32>, vector<16xi32>], vector<16xf32>,
      %mul3A_215 = arith.mulf %gather3A_213, %gather3A_214 : vector<16xf32>
      %add3A_216 = arith.addf %add3A_210, %mul3A_215 : vector<16xf32>
      %broadcast_in_dim3A_217 = arith.constant 31 : i32
      %broadcast_in_dim3A_218 = vector.broadcast %broadcast_in_dim3A_217 : i32 to vector<16xi32>
      %gather3A_219 = tpu.vector_load_idx %arg12[%add3A_30, %broadcast_in_dim3A_218] : memref<512x32xf32, #tpu.memory_space<vmem>>[vector<16xi32>, vector<16xi32>], vector<16xf32>,
      %gather3A_220 = tpu.vector_load_idx %arg13[%add3A_30, %broadcast_in_dim3A_218] : memref<512x32xf32, #tpu.memory_space<vmem>>[vector<16xi32>, vector<16xi32>], vector<16xf32>,
      %mul3A_221 = arith.mulf %gather3A_219, %gather3A_220 : vector<16xf32>
      %add3A_222 = arith.addf %add3A_216, %mul3A_221 : vector<16xf32>
      %swap3A = arith.index_cast %mul3A_28 : i32 to index
      %swap3A_223 = tpu.vector_load %arg16[%swap3A] {strides = array<i32>} : memref<512xf32, #tpu.memory_space<vmem>>, vector<16xf32>,
      tpu.vector_store %arg16[%swap3A], %add3A_222 {strides = array<i32>} : memref<512xf32, #tpu.memory_space<vmem>>, vector<16xf32>,
      %get3A = arith.index_cast %mul3A_28 : i32 to index
      %get3A_224 = tpu.vector_load %arg14[%get3A] {strides = array<i32>} : memref<512xf32, #tpu.memory_space<vmem>>, vector<16xf32>,
      %get3A_225 = arith.index_cast %mul3A_28 : i32 to index
      %get3A_226 = tpu.vector_load %arg15[%get3A_225] {strides = array<i32>} : memref<512xf32, #tpu.memory_space<vmem>>, vector<16xf32>,
      %add3A_227 = arith.addf %get3A_224, %get3A_226 : vector<16xf32>
      %abs3A = math.absf %add3A_227 : vector<16xf32>
      %neg3A = arith.constant 0.000000e+00 : f32
      %neg3A_228 = vector.broadcast %neg3A : f32 to vector<16xf32>
      %neg3A_229 = arith.subf %neg3A_228, %abs3A : vector<16xf32>
      %exp3A = math.exp %neg3A_229 : vector<16xf32>
      %broadcast_in_dim3A_230 = arith.constant -0.00607487746 : f32
      %broadcast_in_dim3A_231 = vector.broadcast %broadcast_in_dim3A_230 : f32 to vector<16xf32>
      %mul3A_232 = arith.mulf %broadcast_in_dim3A_231, %exp3A : vector<16xf32>
      %add3A_233 = arith.constant 0.0344185941 : f32
      %add3A_234 = vector.broadcast %add3A_233 : f32 to vector<16xf32>
      %add3A_235 = arith.addf %mul3A_232, %add3A_234 : vector<16xf32>
      %mul3A_236 = arith.mulf %add3A_235, %exp3A : vector<16xf32>
      %add3A_237 = arith.constant -0.0923137664 : f32
      %add3A_238 = vector.broadcast %add3A_237 : f32 to vector<16xf32>
      %add3A_239 = arith.addf %mul3A_236, %add3A_238 : vector<16xf32>
      %mul3A_240 = arith.mulf %add3A_239, %exp3A : vector<16xf32>
      %add3A_241 = arith.constant 0.164783493 : f32
      %add3A_242 = vector.broadcast %add3A_241 : f32 to vector<16xf32>
      %add3A_243 = arith.addf %mul3A_240, %add3A_242 : vector<16xf32>
      %mul3A_244 = arith.mulf %add3A_243, %exp3A : vector<16xf32>
      %add3A_245 = arith.constant -0.239190713 : f32
      %add3A_246 = vector.broadcast %add3A_245 : f32 to vector<16xf32>
      %add3A_247 = arith.addf %mul3A_244, %add3A_246 : vector<16xf32>
      %mul3A_248 = arith.mulf %add3A_247, %exp3A : vector<16xf32>
      %add3A_249 = arith.constant 3.313340e-01 : f32
      %add3A_250 = vector.broadcast %add3A_249 : f32 to vector<16xf32>
      %add3A_251 = arith.addf %mul3A_248, %add3A_250 : vector<16xf32>
      %mul3A_252 = arith.mulf %add3A_251, %exp3A : vector<16xf32>
      %add3A_253 = arith.constant -0.499801159 : f32
      %add3A_254 = vector.broadcast %add3A_253 : f32 to vector<16xf32>
      %add3A_255 = arith.addf %mul3A_252, %add3A_254 : vector<16xf32>
      %mul3A_256 = arith.mulf %add3A_255, %exp3A : vector<16xf32>
      %add3A_257 = arith.constant 0.999991476 : f32
      %add3A_258 = vector.broadcast %add3A_257 : f32 to vector<16xf32>
      %add3A_259 = arith.addf %mul3A_256, %add3A_258 : vector<16xf32>
      %mul3A_260 = arith.mulf %add3A_259, %exp3A : vector<16xf32>
      %add3A_261 = arith.constant 9.08378652E-8 : f32
      %add3A_262 = vector.broadcast %add3A_261 : f32 to vector<16xf32>
      %add3A_263 = arith.addf %mul3A_260, %add3A_262 : vector<16xf32>
      %max3A = arith.constant 0.000000e+00 : f32
      %max3A_264 = vector.broadcast %max3A : f32 to vector<16xf32>
      %max3A_265 = arith.maximumf %add3A_227, %max3A_264 : vector<16xf32>
      %add3A_266 = arith.addf %max3A_265, %add3A_263 : vector<16xf32>
      %swap3A_267 = arith.index_cast %mul3A_28 : i32 to index
      %swap3A_268 = tpu.vector_load %arg17[%swap3A_267] {strides = array<i32>} : memref<512xf32, #tpu.memory_space<vmem>>, vector<16xf32>,
      tpu.vector_store %arg17[%swap3A_267], %add3A_266 {strides = array<i32>} : memref<512xf32, #tpu.memory_space<vmem>>, vector<16xf32>,
    }
    %scan3A_25 = arith.constant 32 : i32
    "tpu.region"() ({
      %run_scoped3A = tpu.sem_alloc : memref<!tpu.dma_semaphore, #tpu.memory_space<semaphore_mem>>
      %dma_start3A_26 = tpu.memref_slice %arg8[%mul3A_2] : memref<16384xf32, #tpu.memory_space<hbm>> -> memref<512xf32, #tpu.memory_space<hbm>>
      %dma_start3A_27 = tpu.memref_slice %arg8[%mul3A_2] : memref<16384xf32, #tpu.memory_space<hbm>> -> memref<512xf32, #tpu.memory_space<hbm>>
      tpu.enqueue_dma source(%arg16 : memref<512xf32, #tpu.memory_space<vmem>>) target(%dma_start3A_27 : memref<512xf32, #tpu.memory_space<hbm>>) target_semaphore(%run_scoped3A : memref<!tpu.dma_semaphore, #tpu.memory_space<semaphore_mem>>)
      %dma_wait3A_28 = tpu.memref_slice %arg8[%mul3A_2] : memref<16384xf32, #tpu.memory_space<hbm>> -> memref<512xf32, #tpu.memory_space<hbm>>
      %dma_wait3A_29 = tpu.memref_slice %arg8[%mul3A_2] : memref<16384xf32, #tpu.memory_space<hbm>> -> memref<512xf32, #tpu.memory_space<hbm>>
      tpu.wait_dma2 semaphore(%run_scoped3A : memref<!tpu.dma_semaphore, #tpu.memory_space<semaphore_mem>>) src(%arg16 : memref<512xf32, #tpu.memory_space<vmem>>) dst(%dma_wait3A_29 : memref<512xf32, #tpu.memory_space<hbm>>)
      tpu.yield
    }) : () -> ()
    "tpu.region"() ({
      %run_scoped3A = tpu.sem_alloc : memref<!tpu.dma_semaphore, #tpu.memory_space<semaphore_mem>>
      %dma_start3A_26 = tpu.memref_slice %arg9[%mul3A_2] : memref<16384xf32, #tpu.memory_space<hbm>> -> memref<512xf32, #tpu.memory_space<hbm>>
      %dma_start3A_27 = tpu.memref_slice %arg9[%mul3A_2] : memref<16384xf32, #tpu.memory_space<hbm>> -> memref<512xf32, #tpu.memory_space<hbm>>
      tpu.enqueue_dma source(%arg17 : memref<512xf32, #tpu.memory_space<vmem>>) target(%dma_start3A_27 : memref<512xf32, #tpu.memory_space<hbm>>) target_semaphore(%run_scoped3A : memref<!tpu.dma_semaphore, #tpu.memory_space<semaphore_mem>>)
      %dma_wait3A_28 = tpu.memref_slice %arg9[%mul3A_2] : memref<16384xf32, #tpu.memory_space<hbm>> -> memref<512xf32, #tpu.memory_space<hbm>>
      %dma_wait3A_29 = tpu.memref_slice %arg9[%mul3A_2] : memref<16384xf32, #tpu.memory_space<hbm>> -> memref<512xf32, #tpu.memory_space<hbm>>
      tpu.wait_dma2 semaphore(%run_scoped3A : memref<!tpu.dma_semaphore, #tpu.memory_space<semaphore_mem>>) src(%arg17 : memref<512xf32, #tpu.memory_space<vmem>>) dst(%dma_wait3A_29 : memref<512xf32, #tpu.memory_space<hbm>>)
      tpu.yield
    }) : () -> ()
    return
  }
}

</mosaic_0001>

<sc_bundles>
// kernel: kernel.3.cloned.1.call-start
scs
__scs_entry_jumppad:
0x0: {  	(pc) =	sbr.rel $0x88, $3  }
0x1: {  	(tag) =	ssettag $0x0;
	lr =	simm.s32 $0x1  }
0x2: {  	[smem:$0x3F9B] =	sst lr;
	_ =	strace $0xD0000000  }
0x3: {  	_ = 	snop  }
0x4: {  	_ = 	snop  }
0x5: {  	_ = 	snop  }
0x6: {  	_ = 	snop  }
0x7: {  	_ = 	snop  }
__scs_overlays_trampoline_lowered:
0x8: {  	[smem:$0x3FAA] =	sst s0  }
0x9: {  	[smem:$0x3FAB] =	sst s1  }
0xa: {  	[smem:$0x3FAC] =	sst s2  }
0xb: {  	[smem:$0x3FAD] =	sst s3  }
0xc: {  	[smem:$0x3FAE] =	sst s4  }
0xd: {  	[smem:$0x3FAF] =	sst s5  }
0xe: {  	[smem:$0x3FB0] =	sst s6  }
0xf: {  	[smem:$0x3FB1] =	sst s7  }
0x10: {  	[smem:$0x3FB2] =	sst s8  }
0x11: {  	[smem:$0x3FB3] =	sst s9;
	s0 =	simm.s32 @!p0 $0x0  }
0x12: {  	s1 =	sld [smem:$0x3F99];
	s0 =	simm.s32 @p0 $0x1  }
0x13: {  	[smem:$0x3FB4] =	sst s0;
	s0 =	simm.s32 @!p1 $0x0  }
0x14: {  	s2 =	sld [smem:$0x3F98];
	s0 =	simm.s32 @p1 $0x1  }
0x15: {  	[smem:$0x3FB5] =	sst s0;
	s0 =	simm.s32 @!p2 $0x0  }
0x16: {  	s3 =	sld [smem:$0x3FDB];
	s0 =	simm.s32 @p2 $0x1  }
0x17: {  	s4 =	simm.s32 $0x1BF5;
	[smem:$0x3FB7] =	sst s0  }
0x18: {  	s0 =	sld [smem:$0x3F9A];
	_ =	swait.ge [sflag:s4], $0x0  }
0x19: {  	s7 =	sld [smem:$0x3F9B]  }
0x1a: {  	s8 =	sadd.s32 $0xFFFFE003, lr  }
0x1b: {  	s9 =	sadd.s32 $0xFFFFFEF7, lr;
	s5 =	simm.s32 $0xFFFFFFFF;
	p2 =	slt.u32 s8, $0xFFFFF086  }
0x1c: {  	p1 =	slt.u32 s9, $0xF7A;
	s5 =	simm.s32 @!p2 $0x0  }
0x1d: {  	s5 =	simm.s32 @p1 $0x1;
	p0 =	seq.s32 s7, s2  }
0x1e: {  	s7 =	smul.u32 @!p0 $0xF7A, s2;
	p2 =	seq.s32 @!p0 s5, $0x0  }
0x1f: {  	s9 =	smul.u32 $0xF7A, s1;
	s8 =	simm.s32 @!p0 $0x1BF5;
	p2 =	por !p2, p0  }
0x20: {  	[sflag:s8] =	ssyncset.s32 @!p0 $0xFFFFF086;
	s6 =	sadd.s32 @!p0 s3, s7;
	s7 =	simm.s32 @!p0 $0x108  }
0x21: {  	s3 =	sadd.s32 s3, s9;
	s6 =	sadd.s32 @!p0 $0x88, s6;
	s7 =	simm.s32 @p2 $0x1082  }
0x22: {  	[simem:s7], [sflag:s8] =	dma.local @!p0 [hbm:s6], $0xF7A  }
0x23: {  	s9 =	sor.u32 $0xD0000000, s2;
	s6 =	simm.s32 $0x108;
	_ =	swait.ge @!p0 [sflag:s8], $0x0  }
0x24: {  	s3 =	sadd.s32 $0x88, s3;
	s6 =	simm.s32 @!p1 $0x1082;
	[sflag:s4] =	ssyncset.s32 $0xFFFFF086  }
0x25: {  	[simem:s6], [sflag:s4] =	dma.local [hbm:s3], $0xF7A  }
0x26: {  	[smem:$0x3F9B] =	sst s1;
	(tag) =	ssettag s2;
	_ =	strace s9  }
0x27: {  	s1 =	sld [smem:$0x3FAB]  }
0x28: {  	s2 =	sld [smem:$0x3FAC]  }
0x29: {  	s4 =	sld [smem:$0x3FAE]  }
0x2a: {  	p0 =	seq.s32 s5, $0x0;
	s5 =	sld [smem:$0x3FAF]  }
0x2b: {  	s6 =	sld [smem:$0x3FB0]  }
0x2c: {  	s7 =	sld [smem:$0x3FB1]  }
0x2d: {  	s3 =	simm.s32 $0x108;
	s8 =	sld [smem:$0x3FB2]  }
0x2e: {  	s3 =	simm.s32 @!p0 $0x1082;
	s9 =	sld [smem:$0x3FB3]  }
0x2f: {  	lr =	sadd.s32 s0, s3;
	s0 =	sld [smem:$0x3FAA]  }
0x30: {  	s3 =	sld [smem:$0x3FAD]  }
0x31: {  	[smem:$0x3FB6] =	sst s10  }
0x32: {  	s10 =	sld [smem:$0x3FB4];
	_ =	sdelay $0x3  }
0x33: {  	p0 =	seq.s32 s10, $0x1;
	s10 =	sld [smem:$0x3FB6];
	_ =	sdelay $0x3  }
0x34: {  	[smem:$0x3FB6] =	sst s10  }
0x35: {  	s10 =	sld [smem:$0x3FB5];
	_ =	sdelay $0x3  }
0x36: {  	p1 =	seq.s32 s10, $0x1;
	s10 =	sld [smem:$0x3FB6];
	_ =	sdelay $0x3  }
0x37: {  	[smem:$0x3FB6] =	sst s10  }
0x38: {  	s10 =	sld [smem:$0x3FB7]  }
0x39: {  	_ = 	snop;
	(pc) =	sbr.ind lr, $3  }
0x3a: {  	_ = 	snop  }
0x3b: {  	_ = 	snop  }
0x3c: {  	p2 =	seq.s32 s10, $0x1;
	s10 =	sld [smem:$0x3FB6]  }
0x3d: {  	_ =	shalt  }
0x3e: {  	_ =	shalt  }
0x3f: {  	_ =	shalt  }
0x40: {  	_ =	shalt  }
0x41: {  	_ =	shalt  }
0x42: {  	_ =	shalt  }
0x43: {  	_ =	shalt  }
0x44: {  	_ =	shalt  }
0x45: {  	_ =	shalt  }
0x46: {  	_ =	shalt  }
0x47: {  	_ =	shalt  }
0x48: {  	_ =	shalt  }
0x49: {  	_ =	shalt  }
0x4a: {  	_ =	shalt  }
0x4b: {  	_ =	shalt  }
0x4c: {  	_ =	shalt  }
0x4d: {  	_ =	shalt  }
0x4e: {  	_ =	shalt  }
0x4f: {  	_ =	shalt  }
0x50: {  	_ =	shalt  }
0x51: {  	_ =	shalt  }
0x52: {  	_ =	shalt  }
0x53: {  	_ =	shalt  }
0x54: {  	_ =	shalt  }
0x55: {  	_ =	shalt  }
0x56: {  	_ =	shalt  }
0x57: {  	_ =	shalt  }
0x58: {  	_ =	shalt  }
0x59: {  	_ =	shalt  }
0x5a: {  	_ =	shalt  }
0x5b: {  	_ =	shalt  }
0x5c: {  	_ =	shalt  }
0x5d: {  	_ =	shalt  }
0x5e: {  	_ =	shalt  }
0x5f: {  	_ =	shalt  }
0x60: {  	_ =	shalt  }
0x61: {  	_ =	shalt  }
0x62: {  	_ =	shalt  }
0x63: {  	_ =	shalt  }
0x64: {  	_ =	shalt  }
0x65: {  	_ =	shalt  }
0x66: {  	_ =	shalt  }
0x67: {  	_ =	shalt  }
0x68: {  	_ =	shalt  }
0x69: {  	_ =	shalt  }
0x6a: {  	_ =	shalt  }
0x6b: {  	_ =	shalt  }
0x6c: {  	_ =	shalt  }
0x6d: {  	_ =	shalt  }
0x6e: {  	_ =	shalt  }
0x6f: {  	_ =	shalt  }
0x70: {  	_ =	shalt  }
0x71: {  	_ =	shalt  }
0x72: {  	_ =	shalt  }
0x73: {  	_ =	shalt  }
0x74: {  	_ =	shalt  }
0x75: {  	_ =	shalt  }
0x76: {  	_ =	shalt  }
0x77: {  	_ =	shalt  }
0x78: {  	_ =	shalt  }
0x79: {  	_ =	shalt  }
0x7a: {  	_ =	shalt  }
0x7b: {  	_ =	shalt  }
0x7c: {  	_ =	shalt  }
0x7d: {  	_ =	shalt  }
0x7e: {  	_ =	shalt  }
0x7f: {  	_ =	shalt  }
0x80: {  	_ =	shalt  }
0x81: {  	_ =	shalt  }
0x82: {  	_ =	shalt  }
0x83: {  	_ =	shalt  }
0x84: {  	_ =	shalt  }
0x85: {  	_ =	shalt  }
0x86: {  	_ =	shalt  }
0x87: {  	_ =	shalt  }
.Lfunc_end0:
.L_simem_size_0:
called_computation_lowered:
.L_overlay_start_0:
0x88: {  	s2 =	sld [smem:$0x3FD9]  }
0x89: {  	s3 =	sld [smem:$0x3FFE];
	_ =	sdelay $0x1  }
0x8a: {  	s1 =	srdreg.scid  }
0x8b: {  	s0 =	sand.u32 $0x1, s1  }
0x8c: {  	s14 =	sshll.u32 s0, $0xA;
	s2 =	sadd.s32 s3, s2  }
0x8d: {  	s2 =	sadd.s32 s2, s14  }
0x8e: {  	[smem:$0x3FC2] =	sst s2  }
0x8f: {  	_ = 	snop  }
0x90: {  	s2 =	sld [smem:$0x3FD0];
	_ =	sdelay $0x1  }
0x91: {  	s15 =	sld [smem:$0x3FC9]  }
0x92: {  	s5 =	simm.s32 $0xA;
	s6 =	simm.s32 $0x10;
	s4 =	sld [smem:$0x3FC8]  }
0x93: {  	[smem:s6], [sflag:s5] =	dma.local [hbm:s2], $0x1  }
0x94: {  	_ =	swait.eq [sflag:s5], $0x1  }
0x95: {  	[sflag:s5] =	ssyncset.done $0x0  }
0x96: {  	s16 =	sld [smem:$0x10];
	[sflag:s5] =	ssyncadd.s32 $0xFFFFFFFF  }
0x97: {  	s17 =	sld [smem:$0x11];
	(tm) =	ssettm $0x1  }
0x98: {  	s18 =	sld [smem:$0x3FFB];
	_ =	sdelay $0x3  }
0x99: {  	_ =	strace s18  }
0x9a: {  	s6 =	sld [smem:$0x3FFC];
	_ =	sdelay $0x3  }
0x9b: {  	_ =	strace s6  }
0x9c: {  	s6 =	sld [smem:$0x3FFD];
	_ =	sdelay $0x3  }
0x9d: {  	_ =	strace s6  }
0x9e: {  	_ =	strace $0x8FFFFFFF  }
0x9f: {  	s19 =	sld [smem:$0x3FDB];
	_ =	sdelay $0x1  }
0xa0: {  	s7 =	simm.s32 $_scs_section_size  }
0xa1: {  	s8 =	simm.s32 $_size__tile_overlayer_lowered;
	s9 =	simm.s32 $_tile_overlayer_lowered  }
0xa2: {  	s22 =	simm.s32 $0x1BFF;
	s21 =	sshll.u32 s9, $0x1;
	s6 =	sadd.s32 s7, s19  }
0xa3: {  	s10 =	simm.s32 $0x0;
	s20 =	sshll.u32 s8, $0x1;
	s8 =	sadd.s32 s21, s6  }
0xa4: {  	[timem:s10], [sflag:s22] =	dma.local [hbm:s8], s20  }
0xa5: {  	_ =	swait.ge [sflag:s22], s20  }
0xa6: {  	s7 =	ssub.s32 $0x0, s20;
	[sflag:s22] =	ssyncset.done $0x0  }
0xa7: {  	[sflag:s22] =	ssyncadd.s32 s7;
	_ =	sdelay $0x1  }
0xa8: {  	s23 =	simm.s32 $0x1B8B  }
0xa9: {  	_ =	swait.ge [sflag:s23], $0x1  }
0xaa: {  	[sflag:s23] =	ssyncset.done $0x0  }
0xab: {  	s25 =	simm.s32 $0x1B8E;
	s24 =	sld [smem:$0x3FFE];
	[sflag:s23] =	ssyncadd.s32 $0xFFFFFFFF  }
0xac: {  	s26 =	simm.s32 $execute0_lowered;
	[smem:$0x3FD2] =	sst s25  }
0xad: {  	s8 =	sshll.u32 s26, $0x1;
	_ =	strace $0x80000046;
	[dreg:$0x1] =	wrdreg $0xFFFFFFFF  }
0xae: {  	s28 =	simm.s32 $_size_execute0_lowered;
	s6 =	sadd.s32 s6, s8;
	[dreg:$0x0] =	wrdreg $0x0  }
0xaf: {  	s8 =	sshll.u32 s28, $0x1;
	[dreg:$0x2] =	wrdreg s6  }
0xb0: {  	[dreg:$0x3] =	wrdreg s8  }
0xb1: {  	[dreg:$0x4] =	wrdreg $0xC0  }
0xb2: {  	_ =	task [dreg:s10], $0x5FFFF  }
0xb3: {  	[dreg:$0x1] =	wrdreg $0xFFFFFFFF  }
0xb4: {  	[dreg:$0x0] =	wrdreg $0x60  }
0xb5: {  	[dreg:$0x2] =	wrdreg s15  }
0xb6: {  	[dreg:$0x3] =	wrdreg s4  }
0xb7: {  	[dreg:$0x4] =	wrdreg s24  }
0xb8: {  	[dreg:$0x5] =	wrdreg s16  }
0xb9: {  	[dreg:$0x6] =	wrdreg s17  }
0xba: {  	[dreg:$0x7] =	wrdreg $0x9  }
0xbb: {  	_ =	task.clear_ibuf [dreg:s10], $0x8FFFF;
	_ =	strace $0x90000046  }
0xbc: {  	s29 =	simm.s32 $0x9;
	_ =	strace $0x80000048  }
0xbd: {  	_ =	swait.ge [sflag:s29], $0x1  }
0xbe: {  	[sflag:s29] =	ssyncadd.s32 $0xFFFFFFFF  }
0xbf: {  	_ =	strace $0x90000048  }
0xc0: {  	_ =	sfence  }
0xc1: {  	s30 =	sld [smem:$0x0];
	_ =	sdelay $0x2  }
0xc2: {  	s31 =	sshll.u32 s1, $0xD;
	s1 =	sshrl.u32 s1, $0x2  }
0xc3: {  	s3 =	sand.u32 $0x4000, s31;
	s1 =	sadd.s32 s1, s30  }
0xc4: {  	s0 =	sor.u32 s3, s0;
	s1 =	sshll.u32 s1, $0x11  }
0xc5: {  	s0 =	sor.u32 s1, s0  }
0xc6: {  	s0 =	sadd.s32 $0x8F2B, s0  }
0xc7: {  	[sflag:s0] =	ssyncadd.remote.s32 $0x1  }
0xc8: {  	_ =	sfence.sel $0xFFFF  }
0xc9: {  	[dreg:$0x0] =	wrdreg $0xFFFFFFFF;
	(pc) =	sbr.abs _section_cstart, $3  }
0xca: {  	[dreg:$0x1] =	wrdreg $0xFFFFFFFF  }
0xcb: {  	_ =	task.clear_ibuf [dreg:s10], $0x2FFFF;
	_ =	strace $0x9FFFFFFF  }
0xcc: {  	(tm) =	ssettm $0x7FFFFFFF  }
0xcd: {  	_ =	shalt  }
tec
execute0_lowered:
.L_overlay_start_1:
0x0: {  	(tag) =	ssettag $0x1  }
0x1: {  	s7 =	rddreg [dreg:$0x0]  }
0x2: {  	s8 =	rddreg [dreg:$0x1]  }
0x3: {  	s6 =	rddreg [dreg:$0x2]  }
0x4: {  	s9 =	rddreg [dreg:$0x3]  }
0x5: {  	s10 =	rddreg [dreg:$0x4]  }
0x6: {  	s0 =	rddreg [dreg:$0x5];
	s1 =	simm.s32 $0x0;
	s5 =	srdreg.scid  }
0x7: {  	s2 =	stileid.u32;
	s15 =	simm.s32 $0x4400;
	s16 =	simm.s32 $0x1  }
0x8: {  	s17 =	simm.s32 $0x8800;
	s18 =	simm.s32 $0x8A00;
	s19 =	simm.s32 $0x0  }
0x9: {  	[smem:$0x7FF] =	sst s1;
	s3 =	sadd.s32 $0x1313000, s6;
	s4 =	sadd.s32 $0xF42600, s6  }
0xa: {  	s5 =	sand.u32 $0x1, s5;
	s12 =	sshll.u32 s2, $0x7;
	_ =	strace $0x80000047  }
0xb: {  	s11 =	ssub.s32 $0x2, s5;
	s13 =	sshll.u32 s5, $0x6;
	s5 =	sadd.s32 $0x1EC00, s6  }
0xc: {  	s6 =	sadd.s32 $0x200, s6;
	s14 =	sshrl.u32 s11, $0x1;
	s12 =	sor.u32 s13, s12  }
0xd: {  	s13 =	simm.s32 $0x200;
	s11 =	ssub.s32 s11, s14;
	s7 =	sadd.s32 s7, s12  }
0xe: {  	v0 =	vlaneseq.u32;
	s8 =	sadd.s32 s8, s12;
	s9 =	sadd.s32 s9, s12;
	s10 =	sadd.s32 s10, s12  }
0xf: {  	v0 =	vmul.u32 $0x20, v0;
	s12 =	simm.s32 $0x2;
	s14 =	simm.s32 $0x400;
	s11 =	smax.u32 s11, $0x1  }
.LBB2_1:
0x10: {  	[tilespmem:s1], [sflag:$0x2] =	stream.linear.gather [hbm4b:s7+s1], $0x200, $0x38;
	[tilespmem:$0x8C00] =	vst v63  }
0x11: {  	_ =	swait.ge [sflag:s12], $0x200  }
0x12: {  	[sflag:s12] =	ssyncset.done $0x0  }
0x13: {  	[sflag:s12] =	ssyncadd.s32 $0xFFFFFE00  }
0x14: {  	[tilespmem:s13], [sflag:$0x2] =	stream.linear.gather [hbm4b:s8+s1], $0x200, $0x38;
	[tilespmem:$0x8C00] =	vst v63  }
0x15: {  	_ =	swait.ge [sflag:s12], $0x200  }
0x16: {  	[sflag:s12] =	ssyncset.done $0x0  }
0x17: {  	[sflag:s12] =	ssyncadd.s32 $0xFFFFFE00  }
0x18: {  	[tilespmem:s14], [sflag:$0x1] =	stream.indirect.gather [hbm4b:s3+s13], $0x20, s1, s13, $0xb8;
	[tilespmem:$0x8C00] =	vst v63  }
0x19: {  	_ = 	snop  }
0x1a: {  	[tilespmem:s15], [sflag:$0x1] =	stream.indirect.gather [hbm4b:s4+s13], $0x20, s13, s13, $0xb8;
	[tilespmem:$0x8C00] =	vst v63  }
0x1b: {  	s20 =	simm.s32 $0x8400  }
0x1c: {  	[tilespmem:s20], [sflag:$0x1] =	stream.indirect.gather [hbm4b:s5+s13], $0x1, s1, s13, $0xb8;
	[tilespmem:$0x8C00] =	vst v63  }
0x1d: {  	s21 =	simm.s32 $0x8600  }
0x1e: {  	[tilespmem:s21], [sflag:$0x1] =	stream.indirect.gather [hbm4b:s6+s13], $0x1, s13, s13, $0xb8;
	[tilespmem:$0x8C00] =	vst v63  }
0x1f: {  	_ =	swait.ge [sflag:s16], $0x4000  }
0x20: {  	[sflag:s16] =	ssyncset.done $0x0  }
0x21: {  	[sflag:s16] =	ssyncadd.s32 $0xFFFFC000  }
0x22: {  	_ =	swait.ge [sflag:s16], $0x4000  }
0x23: {  	[sflag:s16] =	ssyncset.done $0x0  }
0x24: {  	v1 =	vmov s1;
	[sflag:s16] =	ssyncadd.s32 $0xFFFFC000  }
0x25: {  	v1 =	vshll.u32 v1, $0x5;
	_ =	swait.ge [sflag:s16], $0x200  }
0x26: {  	v1 =	vor.u32 v0, v1;
	[sflag:s16] =	ssyncset.done $0x0  }
0x27: {  	[sflag:s16] =	ssyncadd.s32 $0xFFFFFE00  }
0x28: {  	v2 =	vor.u32 $0x1, v1;
	_ =	swait.ge [sflag:s16], $0x200  }
0x29: {  	[sflag:s16] =	ssyncset.done $0x0  }
0x2a: {  	v3 =	vor.u32 $0x2, v1;
	[sflag:s16] =	ssyncadd.s32 $0xFFFFFE00  }
0x2b: {  	v4 =	vld.idx.msk [tilespmem:v1+s14+$0x0], $0xffff  }
0x2c: {  	v5 =	vor.u32 $0x3, v1;
	v6 =	vld.idx.msk [tilespmem:v1+s15+$0x0], $0xffff  }
0x2d: {  	v7 =	vld.idx.msk [tilespmem:v2+s15+$0x0], $0xffff  }
0x2e: {  	v8 =	vor.u32 $0x4, v1;
	v2 =	vld.idx.msk [tilespmem:v2+s14+$0x0], $0xffff  }
0x2f: {  	v9 =	vld.idx.msk [tilespmem:v3+s15+$0x0], $0xffff  }
0x30: {  	v10 =	vor.u32 $0x5, v1;
	v3 =	vld.idx.msk [tilespmem:v3+s14+$0x0], $0xffff  }
0x31: {  	v11 =	vld.idx.msk [tilespmem:v5+s15+$0x0], $0xffff;
	v4 =	vmul.f32 v6, v4  }
0x32: {  	v5 =	vld.idx.msk [tilespmem:v5+s14+$0x0], $0xffff;
	v6 =	vor.u32 $0x6, v1  }
0x33: {  	v12 =	vld.idx.msk [tilespmem:v8+s15+$0x0], $0xffff;
	v2 =	vmul.f32 v7, v2;
	v4 =	vadd.f32 $0.0e+00, v4  }
0x34: {  	v8 =	vld.idx.msk [tilespmem:v8+s14+$0x0], $0xffff;
	v7 =	vor.u32 $0x7, v1  }
0x35: {  	v13 =	vld.idx.msk [tilespmem:v10+s15+$0x0], $0xffff;
	v3 =	vmul.f32 v9, v3;
	v2 =	vadd.f32 v2, v4  }
0x36: {  	v30 =	vld.idx.msk [tilespmem:v10+s14+$0x0], $0xffff;
	v4 =	vor.u32 $0x8, v1  }
0x37: {  	v31 =	vld.idx.msk [tilespmem:v6+s15+$0x0], $0xffff;
	v2 =	vadd.f32 v3, v2;
	v3 =	vmul.f32 v11, v5  }
0x38: {  	v6 =	vld.idx.msk [tilespmem:v6+s14+$0x0], $0xffff;
	v5 =	vor.u32 $0x9, v1  }
0x39: {  	v32 =	vld.idx.msk [tilespmem:v7+s15+$0x0], $0xffff;
	v2 =	vadd.f32 v3, v2;
	v3 =	vmul.f32 v12, v8  }
0x3a: {  	v33 =	vor.u32 $0xA, v1;
	v7 =	vld.idx.msk [tilespmem:v7+s14+$0x0], $0xffff  }
0x3b: {  	v34 =	vld.idx.msk [tilespmem:v4+s15+$0x0], $0xffff;
	v2 =	vadd.f32 v3, v2;
	v3 =	vmul.f32 v13, v30  }
0x3c: {  	v35 =	vor.u32 $0xB, v1;
	v4 =	vld.idx.msk [tilespmem:v4+s14+$0x0], $0xffff  }
0x3d: {  	v36 =	vld.idx.msk [tilespmem:v5+s15+$0x0], $0xffff;
	v2 =	vadd.f32 v3, v2;
	v3 =	vmul.f32 v31, v6  }
0x3e: {  	v5 =	vld.idx.msk [tilespmem:v5+s14+$0x0], $0xffff;
	v6 =	vor.u32 $0xC, v1  }
0x3f: {  	v37 =	vld.idx.msk [tilespmem:v33+s15+$0x0], $0xffff;
	v2 =	vadd.f32 v3, v2;
	v3 =	vmul.f32 v32, v7  }
0x40: {  	v8 =	vld.idx.msk [tilespmem:v33+s14+$0x0], $0xffff;
	v7 =	vor.u32 $0xD, v1  }
0x41: {  	v38 =	vld.idx.msk [tilespmem:v35+s15+$0x0], $0xffff;
	v2 =	vadd.f32 v3, v2;
	v3 =	vmul.f32 v34, v4  }
0x42: {  	v9 =	vld.idx.msk [tilespmem:v35+s14+$0x0], $0xffff;
	v4 =	vor.u32 $0xE, v1  }
0x43: {  	v39 =	vld.idx.msk [tilespmem:v6+s15+$0x0], $0xffff;
	v2 =	vadd.f32 v3, v2;
	v3 =	vmul.f32 v36, v5  }
0x44: {  	v6 =	vld.idx.msk [tilespmem:v6+s14+$0x0], $0xffff;
	v5 =	vor.u32 $0xF, v1  }
0x45: {  	v40 =	vld.idx.msk [tilespmem:v7+s15+$0x0], $0xffff;
	v2 =	vadd.f32 v3, v2;
	v3 =	vmul.f32 v37, v8  }
0x46: {  	v41 =	vor.u32 $0x10, v1;
	v7 =	vld.idx.msk [tilespmem:v7+s14+$0x0], $0xffff  }
0x47: {  	v42 =	vld.idx.msk [tilespmem:v4+s15+$0x0], $0xffff;
	v2 =	vadd.f32 v3, v2;
	v3 =	vmul.f32 v38, v9  }
0x48: {  	v43 =	vor.u32 $0x11, v1;
	v4 =	vld.idx.msk [tilespmem:v4+s14+$0x0], $0xffff  }
0x49: {  	v44 =	vld.idx.msk [tilespmem:v5+s15+$0x0], $0xffff;
	v2 =	vadd.f32 v3, v2;
	v3 =	vmul.f32 v39, v6  }
0x4a: {  	v5 =	vld.idx.msk [tilespmem:v5+s14+$0x0], $0xffff;
	v6 =	vor.u32 $0x12, v1  }
0x4b: {  	v45 =	vld.idx.msk [tilespmem:v41+s15+$0x0], $0xffff;
	v2 =	vadd.f32 v3, v2;
	v3 =	vmul.f32 v40, v7  }
0x4c: {  	v8 =	vld.idx.msk [tilespmem:v41+s14+$0x0], $0xffff;
	v7 =	vor.u32 $0x13, v1  }
0x4d: {  	v46 =	vld.idx.msk [tilespmem:v43+s15+$0x0], $0xffff;
	v2 =	vadd.f32 v3, v2;
	v3 =	vmul.f32 v42, v4  }
0x4e: {  	v9 =	vld.idx.msk [tilespmem:v43+s14+$0x0], $0xffff;
	v4 =	vor.u32 $0x14, v1  }
0x4f: {  	v47 =	vld.idx.msk [tilespmem:v6+s15+$0x0], $0xffff;
	v2 =	vadd.f32 v3, v2;
	v3 =	vmul.f32 v44, v5  }
0x50: {  	v6 =	vld.idx.msk [tilespmem:v6+s14+$0x0], $0xffff;
	v5 =	vor.u32 $0x15, v1  }
0x51: {  	v48 =	vld.idx.msk [tilespmem:v7+s15+$0x0], $0xffff;
	v2 =	vadd.f32 v3, v2;
	v3 =	vmul.f32 v45, v8  }
0x52: {  	v49 =	vor.u32 $0x16, v1;
	v7 =	vld.idx.msk [tilespmem:v7+s14+$0x0], $0xffff  }
0x53: {  	v50 =	vld.idx.msk [tilespmem:v4+s15+$0x0], $0xffff;
	v2 =	vadd.f32 v3, v2;
	v3 =	vmul.f32 v46, v9  }
0x54: {  	v51 =	vor.u32 $0x17, v1;
	v4 =	vld.idx.msk [tilespmem:v4+s14+$0x0], $0xffff  }
0x55: {  	v52 =	vld.idx.msk [tilespmem:v5+s15+$0x0], $0xffff;
	v2 =	vadd.f32 v3, v2;
	v3 =	vmul.f32 v47, v6  }
0x56: {  	v5 =	vld.idx.msk [tilespmem:v5+s14+$0x0], $0xffff;
	v6 =	vor.u32 $0x18, v1  }
0x57: {  	v53 =	vld.idx.msk [tilespmem:v49+s15+$0x0], $0xffff;
	v2 =	vadd.f32 v3, v2;
	v3 =	vmul.f32 v48, v7  }
0x58: {  	v8 =	vld.idx.msk [tilespmem:v49+s14+$0x0], $0xffff;
	v7 =	vor.u32 $0x19, v1  }
0x59: {  	v54 =	vld.idx.msk [tilespmem:v51+s15+$0x0], $0xffff;
	v2 =	vadd.f32 v3, v2;
	v3 =	vmul.f32 v50, v4  }
0x5a: {  	v9 =	vld.idx.msk [tilespmem:v51+s14+$0x0], $0xffff;
	v4 =	vor.u32 $0x1A, v1  }
0x5b: {  	v55 =	vld.idx.msk [tilespmem:v6+s15+$0x0], $0xffff;
	v2 =	vadd.f32 v3, v2;
	v3 =	vmul.f32 v52, v5  }
0x5c: {  	v6 =	vld.idx.msk [tilespmem:v6+s14+$0x0], $0xffff;
	v5 =	vor.u32 $0x1B, v1  }
0x5d: {  	v56 =	vld.idx.msk [tilespmem:v7+s15+$0x0], $0xffff;
	v2 =	vadd.f32 v3, v2;
	v3 =	vmul.f32 v53, v8  }
0x5e: {  	v57 =	vor.u32 $0x1C, v1;
	v7 =	vld.idx.msk [tilespmem:v7+s14+$0x0], $0xffff  }
0x5f: {  	v58 =	vld.idx.msk [tilespmem:v4+s15+$0x0], $0xffff;
	v2 =	vadd.f32 v3, v2;
	v3 =	vmul.f32 v54, v9  }
0x60: {  	v59 =	vor.u32 $0x1D, v1;
	v4 =	vld.idx.msk [tilespmem:v4+s14+$0x0], $0xffff  }
0x61: {  	v60 =	vld.idx.msk [tilespmem:v5+s15+$0x0], $0xffff;
	v2 =	vadd.f32 v3, v2;
	v3 =	vmul.f32 v55, v6  }
0x62: {  	v5 =	vld.idx.msk [tilespmem:v5+s14+$0x0], $0xffff;
	v6 =	vor.u32 $0x1E, v1  }
0x63: {  	v61 =	vld.idx.msk [tilespmem:v57+s15+$0x0], $0xffff;
	v2 =	vadd.f32 v3, v2;
	v3 =	vmul.f32 v56, v7  }
0x64: {  	v1 =	vor.u32 $0x1F, v1;
	v7 =	vld.idx.msk [tilespmem:v57+s14+$0x0], $0xffff  }
0x65: {  	v62 =	vld.idx.msk [tilespmem:v59+s15+$0x0], $0xffff;
	v2 =	vadd.f32 v3, v2;
	v3 =	vmul.f32 v58, v4  }
0x66: {  	v4 =	vld.idx.msk [tilespmem:v59+s14+$0x0], $0xffff  }
0x67: {  	v63 =	vld.idx.msk [tilespmem:v6+s15+$0x0], $0xffff;
	v2 =	vadd.f32 v3, v2;
	v3 =	vmul.f32 v60, v5  }
0x68: {  	v5 =	vld.idx.msk [tilespmem:v6+s14+$0x0], $0xffff  }
0x69: {  	v6 =	vld.idx.msk [tilespmem:v1+s15+$0x0], $0xffff;
	v2 =	vadd.f32 v3, v2;
	v3 =	vmul.f32 v61, v7  }
0x6a: {  	v1 =	vld.idx.msk [tilespmem:v1+s14+$0x0], $0xffff  }
0x6b: {  	v2 =	vadd.f32 v3, v2;
	v3 =	vmul.f32 v62, v4;
	_ =	sdelay $0x1  }
0x6c: {  	v2 =	vadd.f32 v3, v2;
	v3 =	vmul.f32 v63, v5;
	_ =	sdelay $0x1  }
0x6d: {  	v1 =	vmul.f32 v6, v1;
	v2 =	vadd.f32 v3, v2;
	_ =	sdelay $0x1  }
0x6e: {  	v1 =	vadd.f32 v1, v2;
	_ =	sdelay $0x1  }
0x6f: {  	[tilespmem:s17+$0x0] =	vst v1  }
0x70: {  	v1 =	vld [tilespmem:s20+$0x0]  }
0x71: {  	v2 =	vld [tilespmem:s21+$0x0];
	_ =	sdelay $0x4  }
0x72: {  	v2 =	vadd.f32 v2, v1;
	_ =	sdelay $0x1  }
0x73: {  	v1 =	vand.u32 $0x7FFFFFFF, v2  }
0x74: {  	v1 =	vsub.f32 $0.0e+00, v1;
	_ =	sdelay $0x1  }
0x75: {  	v1 =	vmul.f32 $1.442695020e+00, v1;
	_ =	sdelay $0x1  }
0x76: {  	(erf) = vpow2.f32 v1;
	_ =	sdelay $0x8  }
0x77: {  	v1 =	vpop (erf)  }
0x78: {  	v3 =	vmul.f32 $-6.074877460e-03, v1;
	_ =	sdelay $0x1  }
0x79: {  	v3 =	vadd.f32 $3.441859410e-02, v3;
	_ =	sdelay $0x1  }
0x7a: {  	v3 =	vmul.f32 v3, v1;
	_ =	sdelay $0x1  }
0x7b: {  	v3 =	vadd.f32 $-9.231376640e-02, v3;
	_ =	sdelay $0x1  }
0x7c: {  	v3 =	vmul.f32 v3, v1;
	_ =	sdelay $0x1  }
0x7d: {  	v3 =	vadd.f32 $1.647834930e-01, v3;
	_ =	sdelay $0x1  }
0x7e: {  	v3 =	vmul.f32 v3, v1;
	_ =	sdelay $0x1  }
0x7f: {  	v3 =	vadd.f32 $-2.391907130e-01, v3;
	_ =	sdelay $0x1  }
0x80: {  	v3 =	vmul.f32 v3, v1;
	_ =	sdelay $0x1  }
0x81: {  	v3 =	vadd.f32 $3.313339950e-01, v3;
	_ =	sdelay $0x1  }
0x82: {  	v3 =	vmul.f32 v3, v1;
	_ =	sdelay $0x1  }
0x83: {  	v3 =	vadd.f32 $-4.998011590e-01, v3;
	_ =	sdelay $0x1  }
0x84: {  	v3 =	vmul.f32 v3, v1;
	_ =	sdelay $0x1  }
0x85: {  	s31 =	simm.s32 $0x10;
	v3 =	vadd.f32 $9.999914760e-01, v3  }
0x86: {  	v4 =	vmov s31  }
0x87: {  	v4 =	vshll.u32 v4, $0x5;
	v5 =	vmul.f32 v3, v1  }
0x88: {  	s28 =	simm.s32 $0x20;
	s22 =	simm.s32 $0x8610;
	v1 =	vor.u32 v0, v4;
	v4 =	vmax.f32 v2, $0.0e+00  }
0x89: {  	s23 =	simm.s32 $0x8800;
	s24 =	simm.s32 $0x8A00;
	s21 =	simm.s32 $0x8A10;
	v3 =	vor.u32 $0x1, v1;
	v2 =	vor.u32 $0x2, v1;
	v5 =	vadd.f32 $9.083786520e-08, v5  }
.LBB2_2:
0x8a: {  	s23 =	sadd.s32 $0x10, s23  }
0x8b: {  	v12 =	vor.u32 $0x3, v1;
	v13 =	vor.u32 $0x4, v1;
	v14 =	vor.u32 $0x5, v1;
	s20 =	sadd.s32 $0x10, s20;
	s26 =	smov.u32 s28;
	s25 =	sadd.s32 $0x10, s28  }
0x8c: {  	p0 =	sne.s32 s28, $0x1F0;
	v15 =	vor.u32 $0x6, v1;
	v16 =	vor.u32 $0x7, v1;
	v4 =	vadd.f32 v5, v4  }
0x8d: {  	v17 =	vor.u32 $0x8, v1;
	v18 =	vor.u32 $0x9, v1;
	v19 =	vor.u32 $0xA, v1  }
0x8e: {  	v20 =	vor.u32 $0xB, v1;
	v21 =	vor.u32 $0xC, v1;
	v22 =	vor.u32 $0xD, v1;
	[tilespmem:s24+$0x0] =	vst v4;
	s24 =	smov.u32 s21  }
0x8f: {  	v24 =	vor.u32 $0xE, v1;
	v25 =	vor.u32 $0xF, v1;
	v26 =	vor.u32 $0x10, v1;
	v23 =	vld.idx.msk [tilespmem:v1+s14+$0x0], $0xffff  }
0x90: {  	v28 =	vor.u32 $0x11, v1;
	v29 =	vor.u32 $0x12, v1;
	v30 =	vor.u32 $0x13, v1;
	v27 =	vld.idx.msk [tilespmem:v1+s15+$0x0], $0xffff  }
0x91: {  	v32 =	vor.u32 $0x14, v1;
	v11 =	vor.u32 $0x15, v1;
	v10 =	vor.u32 $0x16, v1;
	v31 =	vld.idx.msk [tilespmem:v3+s15+$0x0], $0xffff  }
0x92: {  	v9 =	vor.u32 $0x17, v1;
	v8 =	vor.u32 $0x18, v1;
	v7 =	vor.u32 $0x19, v1;
	v33 =	vld.idx.msk [tilespmem:v3+s14+$0x0], $0xffff  }
0x93: {  	v6 =	vor.u32 $0x1A, v1;
	v5 =	vor.u32 $0x1B, v1;
	v4 =	vor.u32 $0x1C, v1;
	v34 =	vld.idx.msk [tilespmem:v2+s15+$0x0], $0xffff  }
0x94: {  	v3 =	vor.u32 $0x1D, v1;
	v35 =	vld.idx.msk [tilespmem:v2+s14+$0x0], $0xffff;
	v2 =	vor.u32 $0x1E, v1;
	v1 =	vor.u32 $0x1F, v1  }
0x95: {  	v36 =	vld.idx.msk [tilespmem:v12+s15+$0x0], $0xffff  }
0x96: {  	v23 =	vmul.f32 v27, v23;
	v12 =	vld.idx.msk [tilespmem:v12+s14+$0x0], $0xffff  }
0x97: {  	v27 =	vld.idx.msk [tilespmem:v13+s15+$0x0], $0xffff  }
0x98: {  	v23 =	vadd.f32 $0.0e+00, v23;
	v31 =	vmul.f32 v31, v33;
	v13 =	vld.idx.msk [tilespmem:v13+s14+$0x0], $0xffff  }
0x99: {  	v33 =	vld.idx.msk [tilespmem:v14+s15+$0x0], $0xffff  }
0x9a: {  	v23 =	vadd.f32 v31, v23;
	v31 =	vmul.f32 v34, v35;
	v14 =	vld.idx.msk [tilespmem:v14+s14+$0x0], $0xffff  }
0x9b: {  	v34 =	vld.idx.msk [tilespmem:v15+s15+$0x0], $0xffff  }
0x9c: {  	v23 =	vadd.f32 v31, v23;
	v12 =	vmul.f32 v36, v12;
	v15 =	vld.idx.msk [tilespmem:v15+s14+$0x0], $0xffff  }
0x9d: {  	v31 =	vld.idx.msk [tilespmem:v16+s15+$0x0], $0xffff  }
0x9e: {  	v12 =	vadd.f32 v12, v23;
	v13 =	vmul.f32 v27, v13;
	v16 =	vld.idx.msk [tilespmem:v16+s14+$0x0], $0xffff  }
0x9f: {  	v23 =	vld.idx.msk [tilespmem:v17+s15+$0x0], $0xffff  }
0xa0: {  	v12 =	vadd.f32 v13, v12;
	v13 =	vmul.f32 v33, v14;
	v14 =	vld.idx.msk [tilespmem:v17+s14+$0x0], $0xffff  }
0xa1: {  	v17 =	vld.idx.msk [tilespmem:v18+s15+$0x0], $0xffff  }
0xa2: {  	v12 =	vadd.f32 v13, v12;
	v13 =	vmul.f32 v34, v15;
	v15 =	vld.idx.msk [tilespmem:v18+s14+$0x0], $0xffff  }
0xa3: {  	v18 =	vld.idx.msk [tilespmem:v19+s15+$0x0], $0xffff  }
0xa4: {  	v12 =	vadd.f32 v13, v12;
	v13 =	vmul.f32 v31, v16;
	v16 =	vld.idx.msk [tilespmem:v19+s14+$0x0], $0xffff  }
0xa5: {  	v19 =	vld.idx.msk [tilespmem:v20+s15+$0x0], $0xffff  }
0xa6: {  	v12 =	vadd.f32 v13, v12;
	v13 =	vmul.f32 v23, v14;
	v14 =	vld.idx.msk [tilespmem:v20+s14+$0x0], $0xffff  }
0xa7: {  	v20 =	vld.idx.msk [tilespmem:v21+s15+$0x0], $0xffff  }
0xa8: {  	v12 =	vadd.f32 v13, v12;
	v13 =	vmul.f32 v17, v15;
	v15 =	vld.idx.msk [tilespmem:v21+s14+$0x0], $0xffff  }
0xa9: {  	v17 =	vld.idx.msk [tilespmem:v22+s15+$0x0], $0xffff  }
0xaa: {  	v12 =	vadd.f32 v13, v12;
	v13 =	vmul.f32 v18, v16;
	v16 =	vld.idx.msk [tilespmem:v22+s14+$0x0], $0xffff  }
0xab: {  	v18 =	vld.idx.msk [tilespmem:v24+s15+$0x0], $0xffff  }
0xac: {  	v12 =	vadd.f32 v13, v12;
	v13 =	vmul.f32 v19, v14;
	v14 =	vld.idx.msk [tilespmem:v24+s14+$0x0], $0xffff  }
0xad: {  	v19 =	vld.idx.msk [tilespmem:v25+s15+$0x0], $0xffff  }
0xae: {  	v12 =	vadd.f32 v13, v12;
	v13 =	vmul.f32 v20, v15;
	v15 =	vld.idx.msk [tilespmem:v25+s14+$0x0], $0xffff  }
0xaf: {  	v20 =	vld.idx.msk [tilespmem:v26+s15+$0x0], $0xffff  }
0xb0: {  	v12 =	vadd.f32 v13, v12;
	v13 =	vmul.f32 v17, v16;
	v16 =	vld.idx.msk [tilespmem:v26+s14+$0x0], $0xffff  }
0xb1: {  	v17 =	vld.idx.msk [tilespmem:v28+s15+$0x0], $0xffff  }
0xb2: {  	v12 =	vadd.f32 v13, v12;
	v13 =	vmul.f32 v18, v14;
	v14 =	vld.idx.msk [tilespmem:v28+s14+$0x0], $0xffff  }
0xb3: {  	v18 =	vld.idx.msk [tilespmem:v29+s15+$0x0], $0xffff  }
0xb4: {  	v12 =	vadd.f32 v13, v12;
	v13 =	vmul.f32 v19, v15;
	v15 =	vld.idx.msk [tilespmem:v29+s14+$0x0], $0xffff  }
0xb5: {  	v19 =	vld.idx.msk [tilespmem:v30+s15+$0x0], $0xffff  }
0xb6: {  	v12 =	vadd.f32 v13, v12;
	v13 =	vmul.f32 v20, v16;
	v16 =	vld.idx.msk [tilespmem:v30+s14+$0x0], $0xffff  }
0xb7: {  	v20 =	vld.idx.msk [tilespmem:v32+s15+$0x0], $0xffff  }
0xb8: {  	v12 =	vadd.f32 v13, v12;
	v13 =	vmul.f32 v17, v14;
	v14 =	vld.idx.msk [tilespmem:v32+s14+$0x0], $0xffff  }
0xb9: {  	v17 =	vld.idx.msk [tilespmem:v11+s15+$0x0], $0xffff  }
0xba: {  	v12 =	vadd.f32 v13, v12;
	v13 =	vmul.f32 v18, v15;
	v11 =	vld.idx.msk [tilespmem:v11+s14+$0x0], $0xffff  }
0xbb: {  	v15 =	vld.idx.msk [tilespmem:v10+s15+$0x0], $0xffff  }
0xbc: {  	v12 =	vadd.f32 v13, v12;
	v13 =	vmul.f32 v19, v16;
	v10 =	vld.idx.msk [tilespmem:v10+s14+$0x0], $0xffff  }
0xbd: {  	v16 =	vld.idx.msk [tilespmem:v9+s15+$0x0], $0xffff  }
0xbe: {  	v12 =	vadd.f32 v13, v12;
	v13 =	vmul.f32 v20, v14;
	v9 =	vld.idx.msk [tilespmem:v9+s14+$0x0], $0xffff  }
0xbf: {  	v14 =	vld.idx.msk [tilespmem:v8+s15+$0x0], $0xffff  }
0xc0: {  	v12 =	vadd.f32 v13, v12;
	v11 =	vmul.f32 v17, v11;
	v8 =	vld.idx.msk [tilespmem:v8+s14+$0x0], $0xffff  }
0xc1: {  	v13 =	vld.idx.msk [tilespmem:v7+s15+$0x0], $0xffff  }
0xc2: {  	v11 =	vadd.f32 v11, v12;
	v10 =	vmul.f32 v15, v10;
	v7 =	vld.idx.msk [tilespmem:v7+s14+$0x0], $0xffff  }
0xc3: {  	v12 =	vld.idx.msk [tilespmem:v6+s15+$0x0], $0xffff  }
0xc4: {  	v10 =	vadd.f32 v10, v11;
	v9 =	vmul.f32 v16, v9;
	v6 =	vld.idx.msk [tilespmem:v6+s14+$0x0], $0xffff  }
0xc5: {  	v11 =	vld.idx.msk [tilespmem:v5+s15+$0x0], $0xffff  }
0xc6: {  	v9 =	vadd.f32 v9, v10;
	v8 =	vmul.f32 v14, v8;
	v5 =	vld.idx.msk [tilespmem:v5+s14+$0x0], $0xffff  }
0xc7: {  	v10 =	vld.idx.msk [tilespmem:v4+s15+$0x0], $0xffff  }
0xc8: {  	v8 =	vadd.f32 v8, v9;
	v7 =	vmul.f32 v13, v7;
	v4 =	vld.idx.msk [tilespmem:v4+s14+$0x0], $0xffff  }
0xc9: {  	v9 =	vld.idx.msk [tilespmem:v3+s15+$0x0], $0xffff  }
0xca: {  	v7 =	vadd.f32 v7, v8;
	v6 =	vmul.f32 v12, v6;
	v3 =	vld.idx.msk [tilespmem:v3+s14+$0x0], $0xffff  }
0xcb: {  	v8 =	vld.idx.msk [tilespmem:v2+s15+$0x0], $0xffff  }
0xcc: {  	v6 =	vadd.f32 v6, v7;
	v5 =	vmul.f32 v11, v5;
	v2 =	vld.idx.msk [tilespmem:v2+s14+$0x0], $0xffff  }
0xcd: {  	v7 =	vld.idx.msk [tilespmem:v1+s15+$0x0], $0xffff  }
0xce: {  	v5 =	vadd.f32 v5, v6;
	v4 =	vmul.f32 v10, v4;
	v1 =	vld.idx.msk [tilespmem:v1+s14+$0x0], $0xffff;
	_ =	sdelay $0x1  }
0xcf: {  	v4 =	vadd.f32 v4, v5;
	v3 =	vmul.f32 v9, v3;
	_ =	sdelay $0x1  }
0xd0: {  	v3 =	vadd.f32 v3, v4;
	v2 =	vmul.f32 v8, v2;
	_ =	sdelay $0x1  }
0xd1: {  	v2 =	vadd.f32 v2, v3;
	v1 =	vmul.f32 v7, v1;
	_ =	sdelay $0x1  }
0xd2: {  	v1 =	vadd.f32 v1, v2;
	_ =	sdelay $0x1  }
0xd3: {  	[tilespmem:s23+$0x0] =	vst v1  }
0xd4: {  	v1 =	vld [tilespmem:s20+$0x0]  }
0xd5: {  	v2 =	vld [tilespmem:s22+$0x0];
	_ =	sdelay $0x4  }
0xd6: {  	v2 =	vadd.f32 v2, v1;
	_ =	sdelay $0x1  }
0xd7: {  	v1 =	vand.u32 $0x7FFFFFFF, v2  }
0xd8: {  	v1 =	vsub.f32 $0.0e+00, v1;
	_ =	sdelay $0x1  }
0xd9: {  	v1 =	vmul.f32 $1.442695020e+00, v1;
	_ =	sdelay $0x1  }
0xda: {  	(erf) = vpow2.f32 v1;
	_ =	sdelay $0x8  }
0xdb: {  	v1 =	vpop (erf)  }
0xdc: {  	v3 =	vmul.f32 $-6.074877460e-03, v1;
	_ =	sdelay $0x1  }
0xdd: {  	v3 =	vadd.f32 $3.441859410e-02, v3;
	_ =	sdelay $0x1  }
0xde: {  	v3 =	vmul.f32 v3, v1;
	_ =	sdelay $0x1  }
0xdf: {  	v3 =	vadd.f32 $-9.231376640e-02, v3;
	_ =	sdelay $0x1  }
0xe0: {  	v3 =	vmul.f32 v3, v1;
	_ =	sdelay $0x1  }
0xe1: {  	v3 =	vadd.f32 $1.647834930e-01, v3;
	_ =	sdelay $0x1  }
0xe2: {  	v3 =	vmul.f32 v3, v1;
	_ =	sdelay $0x1  }
0xe3: {  	v3 =	vadd.f32 $-2.391907130e-01, v3;
	_ =	sdelay $0x1  }
0xe4: {  	v3 =	vmul.f32 v3, v1;
	_ =	sdelay $0x1  }
0xe5: {  	v3 =	vadd.f32 $3.313339950e-01, v3;
	_ =	sdelay $0x1  }
0xe6: {  	v3 =	vmul.f32 v3, v1;
	_ =	sdelay $0x1  }
0xe7: {  	v3 =	vadd.f32 $-4.998011590e-01, v3;
	_ =	sdelay $0x1  }
0xe8: {  	v3 =	vmul.f32 v3, v1;
	_ =	sdelay $0x1  }
.Ltmp0:
0xe9: {  	v3 =	vadd.f32 $9.999914760e-01, v3;
	(pc) =	sbr.rel @p0 .LBB2_2-.Ltmp0, $4  }
0xea: {  	v4 =	vmov s26  }
0xeb: {  	v4 =	vshll.u32 v4, $0x5;
	v5 =	vmul.f32 v3, v1  }
0xec: {  	v1 =	vor.u32 v0, v4;
	v4 =	vmax.f32 v2, $0.0e+00  }
0xed: {  	s28 =	smov.u32 s25;
	s21 =	sadd.s32 $0x10, s21;
	s22 =	sadd.s32 $0x10, s22;
	v3 =	vor.u32 $0x1, v1;
	v2 =	vor.u32 $0x2, v1;
	v5 =	vadd.f32 $9.083786520e-08, v5  }
0xee: {  	_ = 	snop  }
0xef: {  	v4 =	vadd.f32 v5, v4;
	_ =	sdelay $0x1  }
0xf0: {  	[tilespmem:s24+$0x0] =	vst v4  }
0xf1: {  	v4 =	vld.idx.msk [tilespmem:v1+s14+$0x0], $0xffff  }
0xf2: {  	v56 =	vor.u32 $0x3, v1;
	v6 =	vld.idx.msk [tilespmem:v1+s15+$0x0], $0xffff  }
0xf3: {  	v7 =	vld.idx.msk [tilespmem:v3+s15+$0x0], $0xffff  }
0xf4: {  	v8 =	vor.u32 $0x4, v1;
	v3 =	vld.idx.msk [tilespmem:v3+s14+$0x0], $0xffff  }
0xf5: {  	v9 =	vld.idx.msk [tilespmem:v2+s15+$0x0], $0xffff  }
0xf6: {  	v10 =	vor.u32 $0x5, v1;
	v2 =	vld.idx.msk [tilespmem:v2+s14+$0x0], $0xffff  }
0xf7: {  	v11 =	vld.idx.msk [tilespmem:v56+s15+$0x0], $0xffff;
	v4 =	vmul.f32 v6, v4  }
0xf8: {  	v57 =	vor.u32 $0x6, v1;
	v5 =	vld.idx.msk [tilespmem:v56+s14+$0x0], $0xffff  }
0xf9: {  	v12 =	vld.idx.msk [tilespmem:v8+s15+$0x0], $0xffff;
	v3 =	vmul.f32 v7, v3;
	v4 =	vadd.f32 $0.0e+00, v4  }
0xfa: {  	v58 =	vor.u32 $0x7, v1;
	v8 =	vld.idx.msk [tilespmem:v8+s14+$0x0], $0xffff  }
0xfb: {  	v13 =	vld.idx.msk [tilespmem:v10+s15+$0x0], $0xffff;
	v2 =	vmul.f32 v9, v2;
	v3 =	vadd.f32 v3, v4  }
0xfc: {  	v59 =	vor.u32 $0x8, v1;
	v60 =	vld.idx.msk [tilespmem:v10+s14+$0x0], $0xffff  }
0xfd: {  	v61 =	vld.idx.msk [tilespmem:v57+s15+$0x0], $0xffff;
	v2 =	vadd.f32 v2, v3;
	v3 =	vmul.f32 v11, v5  }
0xfe: {  	v62 =	vor.u32 $0x9, v1;
	v6 =	vld.idx.msk [tilespmem:v57+s14+$0x0], $0xffff  }
0xff: {  	v63 =	vld.idx.msk [tilespmem:v58+s15+$0x0], $0xffff;
	v2 =	vadd.f32 v3, v2;
	v3 =	vmul.f32 v12, v8  }
0x100: {  	v16 =	vor.u32 $0xA, v1;
	v7 =	vld.idx.msk [tilespmem:v58+s14+$0x0], $0xffff  }
0x101: {  	v17 =	vld.idx.msk [tilespmem:v59+s15+$0x0], $0xffff;
	v2 =	vadd.f32 v3, v2;
	v3 =	vmul.f32 v13, v60  }
0x102: {  	v18 =	vor.u32 $0xB, v1;
	v4 =	vld.idx.msk [tilespmem:v59+s14+$0x0], $0xffff  }
0x103: {  	v19 =	vld.idx.msk [tilespmem:v62+s15+$0x0], $0xffff;
	v2 =	vadd.f32 v3, v2;
	v3 =	vmul.f32 v61, v6  }
0x104: {  	v20 =	vor.u32 $0xC, v1;
	v5 =	vld.idx.msk [tilespmem:v62+s14+$0x0], $0xffff  }
0x105: {  	v21 =	vld.idx.msk [tilespmem:v16+s15+$0x0], $0xffff;
	v2 =	vadd.f32 v3, v2;
	v3 =	vmul.f32 v63, v7  }
0x106: {  	v22 =	vor.u32 $0xD, v1;
	v8 =	vld.idx.msk [tilespmem:v16+s14+$0x0], $0xffff  }
0x107: {  	v23 =	vld.idx.msk [tilespmem:v18+s15+$0x0], $0xffff;
	v2 =	vadd.f32 v3, v2;
	v3 =	vmul.f32 v17, v4  }
0x108: {  	v24 =	vor.u32 $0xE, v1;
	v9 =	vld.idx.msk [tilespmem:v18+s14+$0x0], $0xffff  }
0x109: {  	v25 =	vld.idx.msk [tilespmem:v20+s15+$0x0], $0xffff;
	v2 =	vadd.f32 v3, v2;
	v3 =	vmul.f32 v19, v5  }
0x10a: {  	v26 =	vor.u32 $0xF, v1;
	v6 =	vld.idx.msk [tilespmem:v20+s14+$0x0], $0xffff  }
0x10b: {  	v27 =	vld.idx.msk [tilespmem:v22+s15+$0x0], $0xffff;
	v2 =	vadd.f32 v3, v2;
	v3 =	vmul.f32 v21, v8  }
0x10c: {  	v28 =	vor.u32 $0x10, v1;
	v7 =	vld.idx.msk [tilespmem:v22+s14+$0x0], $0xffff  }
0x10d: {  	v29 =	vld.idx.msk [tilespmem:v24+s15+$0x0], $0xffff;
	v2 =	vadd.f32 v3, v2;
	v3 =	vmul.f32 v23, v9  }
0x10e: {  	v30 =	vor.u32 $0x11, v1;
	v4 =	vld.idx.msk [tilespmem:v24+s14+$0x0], $0xffff  }
0x10f: {  	v31 =	vld.idx.msk [tilespmem:v26+s15+$0x0], $0xffff;
	v2 =	vadd.f32 v3, v2;
	v3 =	vmul.f32 v25, v6  }
0x110: {  	v32 =	vor.u32 $0x12, v1;
	v5 =	vld.idx.msk [tilespmem:v26+s14+$0x0], $0xffff  }
0x111: {  	v33 =	vld.idx.msk [tilespmem:v28+s15+$0x0], $0xffff;
	v2 =	vadd.f32 v3, v2;
	v3 =	vmul.f32 v27, v7  }
0x112: {  	v34 =	vor.u32 $0x13, v1;
	v8 =	vld.idx.msk [tilespmem:v28+s14+$0x0], $0xffff  }
0x113: {  	v35 =	vld.idx.msk [tilespmem:v30+s15+$0x0], $0xffff;
	v2 =	vadd.f32 v3, v2;
	v3 =	vmul.f32 v29, v4  }
0x114: {  	v36 =	vor.u32 $0x14, v1;
	v9 =	vld.idx.msk [tilespmem:v30+s14+$0x0], $0xffff  }
0x115: {  	v37 =	vld.idx.msk [tilespmem:v32+s15+$0x0], $0xffff;
	v2 =	vadd.f32 v3, v2;
	v3 =	vmul.f32 v31, v5  }
0x116: {  	v38 =	vor.u32 $0x15, v1;
	v6 =	vld.idx.msk [tilespmem:v32+s14+$0x0], $0xffff  }
0x117: {  	v39 =	vld.idx.msk [tilespmem:v34+s15+$0x0], $0xffff;
	v2 =	vadd.f32 v3, v2;
	v3 =	vmul.f32 v33, v8  }
0x118: {  	v40 =	vor.u32 $0x16, v1;
	v7 =	vld.idx.msk [tilespmem:v34+s14+$0x0], $0xffff  }
0x119: {  	v41 =	vld.idx.msk [tilespmem:v36+s15+$0x0], $0xffff;
	v2 =	vadd.f32 v3, v2;
	v3 =	vmul.f32 v35, v9  }
0x11a: {  	v42 =	vor.u32 $0x17, v1;
	v4 =	vld.idx.msk [tilespmem:v36+s14+$0x0], $0xffff  }
0x11b: {  	v43 =	vld.idx.msk [tilespmem:v38+s15+$0x0], $0xffff;
	v2 =	vadd.f32 v3, v2;
	v3 =	vmul.f32 v37, v6  }
0x11c: {  	v44 =	vor.u32 $0x18, v1;
	v5 =	vld.idx.msk [tilespmem:v38+s14+$0x0], $0xffff  }
0x11d: {  	v45 =	vld.idx.msk [tilespmem:v40+s15+$0x0], $0xffff;
	v2 =	vadd.f32 v3, v2;
	v3 =	vmul.f32 v39, v7  }
0x11e: {  	v46 =	vor.u32 $0x19, v1;
	v8 =	vld.idx.msk [tilespmem:v40+s14+$0x0], $0xffff  }
0x11f: {  	v47 =	vld.idx.msk [tilespmem:v42+s15+$0x0], $0xffff;
	v2 =	vadd.f32 v3, v2;
	v3 =	vmul.f32 v41, v4  }
0x120: {  	v48 =	vor.u32 $0x1A, v1;
	v9 =	vld.idx.msk [tilespmem:v42+s14+$0x0], $0xffff  }
0x121: {  	v49 =	vld.idx.msk [tilespmem:v44+s15+$0x0], $0xffff;
	v2 =	vadd.f32 v3, v2;
	v3 =	vmul.f32 v43, v5  }
0x122: {  	v50 =	vor.u32 $0x1B, v1;
	v6 =	vld.idx.msk [tilespmem:v44+s14+$0x0], $0xffff  }
0x123: {  	v51 =	vld.idx.msk [tilespmem:v46+s15+$0x0], $0xffff;
	v2 =	vadd.f32 v3, v2;
	v3 =	vmul.f32 v45, v8  }
0x124: {  	v52 =	vor.u32 $0x1C, v1;
	v7 =	vld.idx.msk [tilespmem:v46+s14+$0x0], $0xffff  }
0x125: {  	v53 =	vld.idx.msk [tilespmem:v48+s15+$0x0], $0xffff;
	v2 =	vadd.f32 v3, v2;
	v3 =	vmul.f32 v47, v9  }
0x126: {  	v54 =	vor.u32 $0x1D, v1;
	v4 =	vld.idx.msk [tilespmem:v48+s14+$0x0], $0xffff  }
0x127: {  	v55 =	vld.idx.msk [tilespmem:v50+s15+$0x0], $0xffff;
	v2 =	vadd.f32 v3, v2;
	v3 =	vmul.f32 v49, v6  }
0x128: {  	v56 =	vor.u32 $0x1E, v1;
	v5 =	vld.idx.msk [tilespmem:v50+s14+$0x0], $0xffff  }
0x129: {  	v57 =	vld.idx.msk [tilespmem:v52+s15+$0x0], $0xffff;
	v2 =	vadd.f32 v3, v2;
	v3 =	vmul.f32 v51, v7  }
0x12a: {  	v1 =	vor.u32 $0x1F, v1;
	v58 =	vld.idx.msk [tilespmem:v52+s14+$0x0], $0xffff  }
0x12b: {  	v59 =	vld.idx.msk [tilespmem:v54+s15+$0x0], $0xffff;
	v2 =	vadd.f32 v3, v2;
	v3 =	vmul.f32 v53, v4  }
0x12c: {  	v60 =	vld.idx.msk [tilespmem:v54+s14+$0x0], $0xffff  }
0x12d: {  	v62 =	vld.idx.msk [tilespmem:v56+s14+$0x0], $0xffff;
	v2 =	vadd.f32 v3, v2;
	v3 =	vmul.f32 v55, v5  }
0x12e: {  	v61 =	vld.idx.msk [tilespmem:v56+s15+$0x0], $0xffff  }
0x12f: {  	v63 =	vld.idx.msk [tilespmem:v1+s15+$0x0], $0xffff;
	v2 =	vadd.f32 v3, v2;
	v3 =	vmul.f32 v57, v58  }
0x130: {  	v1 =	vld.idx.msk [tilespmem:v1+s14+$0x0], $0xffff  }
0x131: {  	v2 =	vadd.f32 v3, v2;
	v3 =	vmul.f32 v59, v60;
	_ =	sdelay $0x1  }
0x132: {  	v2 =	vadd.f32 v3, v2;
	v3 =	vmul.f32 v61, v62;
	_ =	sdelay $0x1  }
0x133: {  	v1 =	vmul.f32 v63, v1;
	v2 =	vadd.f32 v3, v2;
	_ =	sdelay $0x1  }
0x134: {  	v1 =	vadd.f32 v1, v2  }
0x135: {  	s23 =	sadd.s32 $0x10, s23  }
0x136: {  	s20 =	sadd.s32 $0x10, s20;
	[tilespmem:s23+$0x0] =	vst v1  }
0x137: {  	v1 =	vld [tilespmem:s20+$0x0]  }
0x138: {  	v2 =	vld [tilespmem:s22+$0x0];
	_ =	sdelay $0x4  }
0x139: {  	v1 =	vadd.f32 v2, v1;
	_ =	sdelay $0x1  }
0x13a: {  	v2 =	vand.u32 $0x7FFFFFFF, v1  }
0x13b: {  	v2 =	vsub.f32 $0.0e+00, v2;
	_ =	sdelay $0x1  }
0x13c: {  	v2 =	vmul.f32 $1.442695020e+00, v2;
	_ =	sdelay $0x1  }
0x13d: {  	(erf) = vpow2.f32 v2;
	_ =	sdelay $0x8  }
0x13e: {  	v2 =	vpop (erf)  }
0x13f: {  	v3 =	vmul.f32 $-6.074877460e-03, v2;
	_ =	sdelay $0x1  }
0x140: {  	v3 =	vadd.f32 $3.441859410e-02, v3;
	_ =	sdelay $0x1  }
0x141: {  	v3 =	vmul.f32 v3, v2;
	_ =	sdelay $0x1  }
0x142: {  	v3 =	vadd.f32 $-9.231376640e-02, v3;
	_ =	sdelay $0x1  }
0x143: {  	v3 =	vmul.f32 v3, v2;
	_ =	sdelay $0x1  }
0x144: {  	v3 =	vadd.f32 $1.647834930e-01, v3;
	_ =	sdelay $0x1  }
0x145: {  	v3 =	vmul.f32 v3, v2;
	_ =	sdelay $0x1  }
0x146: {  	v3 =	vadd.f32 $-2.391907130e-01, v3;
	_ =	sdelay $0x1  }
0x147: {  	v3 =	vmul.f32 v3, v2;
	_ =	sdelay $0x1  }
0x148: {  	v3 =	vadd.f32 $3.313339950e-01, v3;
	_ =	sdelay $0x1  }
0x149: {  	v3 =	vmul.f32 v3, v2;
	_ =	sdelay $0x1  }
0x14a: {  	v3 =	vadd.f32 $-4.998011590e-01, v3;
	_ =	sdelay $0x1  }
0x14b: {  	v3 =	vmul.f32 v3, v2;
	_ =	sdelay $0x1  }
0x14c: {  	v3 =	vadd.f32 $9.999914760e-01, v3;
	_ =	sdelay $0x1  }
0x14d: {  	v2 =	vmul.f32 v3, v2;
	_ =	sdelay $0x1  }
0x14e: {  	v2 =	vadd.f32 $9.083786520e-08, v2  }
0x14f: {  	v1 =	vmax.f32 v1, $0.0e+00  }
0x150: {  	v1 =	vadd.f32 v2, v1;
	_ =	sdelay $0x1  }
0x151: {  	[tilespmem:s21+$0x0] =	vst v1  }
0x152: {  	[hbm4b:s9+s1] =	stream.linear.scatter [tilespmem:s17], [sflag:$0x2], $0x200, $0x38;
	[tilespmem:$0x8C00] =	vst v63  }
0x153: {  	s19 =	sadd.s32 $0x1, s19;
	_ =	swait.ge [sflag:s12], $0x200  }
0x154: {  	p0 =	sne.s32 s19, s11;
	[sflag:s12] =	ssyncset.done $0x0  }
.Ltmp1:
0x155: {  	[sflag:s12] =	ssyncadd.s32 $0xFFFFFE00;
	(pc) =	sbr.rel @p0 .LBB2_1-.Ltmp1, $4  }
0x156: {  	[hbm4b:s10+s1] =	stream.linear.scatter [tilespmem:s18], [sflag:$0x2], $0x200, $0x38;
	[tilespmem:$0x8C00] =	vst v63  }
0x157: {  	_ =	swait.ge [sflag:s12], $0x200  }
0x158: {  	[sflag:s12] =	ssyncset.done $0x0  }
0x159: {  	[sflag:s12] =	ssyncadd.s32 $0xFFFFFE00  }
0x15a: {  	_ =	sfence.sel $0x180000  }
0x15b: {  	[bflag:$0x0] =	sbarrier.arrive $0xFFFF  }
0x15c: {  	p0 =	sne.s32 s2, $0x0;
	_ =	strace $0x90000047  }
0x15d: {  	s0 =	sadd.s32 @!p0 $0x100000, s0;
	[bflag:$0x2] =	sbarrier.arrive $0xFFFF  }
0x15e: {  	[sflag:s0] =	ssyncadd.tile.s32 @!p0 $0x1;
	_ =	shalt  }
.Lfunc_end2:
_tile_overlayer_lowered:
.L_overlay_start_2:
0x15f: {  	(tag) =	ssettag $0x2  }
0x160: {  	s0 =	rddreg [dreg:$0x0];
	s2 =	stileid.u32  }
0x161: {  	s1 =	rddreg [dreg:$0x1];
	p0 =	sne.s32 s2, $0x0  }
0x162: {  	s3 =	rddreg [dreg:$0x2];
	[bflag:$0x3] =	sbarrier.arrive $0xFFFF;
	s2 =	simm.s32 @!p0 $0x1C02  }
0x163: {  	[timem:s3], [sflag:s2] =	dma.local @!p0 [hbm:s0], s1  }
0x164: {  	s0 =	simm.s32 @!p0 $0x2  }
0x165: {  	_ =	swait.ge @!p0 [sflag:s0], s1  }
0x166: {  	s1 =	ssub.s32 @!p0 $0x0, s1;
	[sflag:s0] =	ssyncset.done @!p0 $0x0  }
0x167: {  	[sflag:s0] =	ssyncadd.s32 @!p0 s1  }
0x168: {  	[bflag:$0x3] =	sbarrier.arrive $0xFFFF  }
0x169: {  	_ =	shalt  }

</sc_bundles>
